<compile_context>
chip_gen: v7x
topology: tpu7x:2x2x1
jax: 0.10.2.dev20260603
libtpu: 0.0.44.dev20260713+nightly
codegen_flags: <defaults>
</compile_context>

<pallas_src>
import functools

import jax
import jax.numpy as jnp
from jax import lax
from jax.experimental import pallas as pl
from jax.experimental.pallas import tpu as pltpu
from jax.experimental.pallas import tpu_sc as plsc

EMBED_DIM = 64
OUT_DIM = 128

_NC, _NS = 2, 16
_NW = _NC * _NS
_CHUNK = 512


_FLAT_TR = 128


def _sc_flatten(times2d, n_rows):
    bsz, seq = times2d.shape
    tr_per_w = bsz // _NW
    n_steps = tr_per_w // _FLAT_TR
    offs = list(range(0, seq - 15, 16))
    if offs[-1] + 16 < seq:
        offs.append(seq - 16)
    mesh = plsc.VectorSubcoreMesh(core_axis_name="c", subcore_axis_name="s")

    @functools.partial(
        pl.kernel,
        mesh=mesh,
        out_type=jax.ShapeDtypeStruct((n_rows // 128, 128), jnp.int32),
        scratch_types=[
            pltpu.VMEM((_FLAT_TR, seq), jnp.int32),
            pltpu.VMEM((_FLAT_TR * seq // 128, 128), jnp.int32),
        ],
        compiler_params=pltpu.CompilerParams(needs_layout_passes=False),
    )
    def flat_kernel(times_hbm, out_hbm, in_v, flat_v):
        wid = lax.axis_index("s") * _NC + lax.axis_index("c")
        r0 = pl.multiple_of(wid * tr_per_w, 8)
        f0 = pl.multiple_of(wid * (tr_per_w * seq // 128), 8)
        iota16 = lax.iota(jnp.int32, 16)
        pltpu.sync_copy(times_hbm.at[pl.ds(r0, _FLAT_TR)], in_v)

        def body(k, carry):
            for o in offs:
                p = k * seq + o + iota16
                plsc.store_scatter(
                    flat_v,
                    [p >> 7, p & 127],
                    in_v[k, pl.ds(o, 16)] * 2,
                )
            return carry

        lax.fori_loop(0, _FLAT_TR, body, 0)
        pltpu.sync_copy(
            flat_v, out_hbm.at[pl.ds(f0, _FLAT_TR * seq // 128)]
        )

    return flat_kernel(times2d)


def _sc_gather(table, flat_idx, n_rows, kfr):
    rows_per_w = n_rows // _NW
    n_chunks = rows_per_w // (kfr * 128)
    mesh = plsc.VectorSubcoreMesh(core_axis_name="c", subcore_axis_name="s")

    @functools.partial(
        pl.kernel,
        mesh=mesh,
        out_type=jax.ShapeDtypeStruct(
            (n_rows // 128, 128, 2 * EMBED_DIM), jnp.float32
        ),
        scratch_types=[
            pltpu.VMEM((kfr, 128), jnp.int32),
            pltpu.VMEM((kfr, 128, EMBED_DIM), jnp.float32),
            pltpu.SemaphoreType.DMA,
        ],
        compiler_params=pltpu.CompilerParams(use_tc_tiling_on_sc=False),
    )
    def gather_kernel(table_hbm, idx_hbm, out_hbm, idx_v, rows_v, sem):
        wid = lax.axis_index("s") * _NC + lax.axis_index("c")
        base = wid * (rows_per_w // 128)

        def body(i, carry):
            fr0 = base + i * kfr
            pltpu.sync_copy(idx_hbm.at[pl.ds(fr0, kfr)], idx_v)
            copies = [
                pltpu.async_copy(
                    table_hbm.at[idx_v.at[k]],
                    rows_v.at[k],
                    sem,
                )
                for k in range(kfr)
            ]
            for c in copies:
                c.wait()
            pltpu.sync_copy(
                rows_v,
                out_hbm.at[pl.ds(fr0, kfr), :, pl.ds(0, EMBED_DIM)],
            )
            return carry

        lax.fori_loop(0, n_chunks, body, 0)

    return gather_kernel(table, flat_idx)


_SQRT_HALF = 0.7071067811865476


def _proj_body(e_ref, w_ref, b_ref, o_ref):
    x = e_ref[...][:, :EMBED_DIM]
    h = 0.5 * x * (1.0 + lax.erf(x * _SQRT_HALF))
    acc = lax.dot_general(
        h, w_ref[...], (((1,), (1,)), ((), ())),
        preferred_element_type=jnp.float32,
    )
    o_ref[...] = acc + b_ref[...]


def _proj_body_acc(big_ref, e_ref, w_ref, b_ref, o_ref):
    _proj_body(e_ref, w_ref, b_ref, o_ref)


def _tc_project_chunk(big, e, w, b2d, n_rows, blk, c, nch):
    bpc = n_rows // nch // blk
    grid = (bpc,)
    e_spec = pl.BlockSpec((blk, 2 * EMBED_DIM), lambda i: (i, 0))
    w_spec = pl.BlockSpec((OUT_DIM, EMBED_DIM), lambda i: (0, 0))
    b_spec = pl.BlockSpec((1, OUT_DIM), lambda i: (0, 0))
    out_spec = pl.BlockSpec((blk, OUT_DIM), lambda i: (i + c * bpc, 0))
    out_shape = jax.ShapeDtypeStruct((n_rows, OUT_DIM), jnp.float32)
    if big is None:
        return pl.pallas_call(
            _proj_body,
            grid=grid,
            in_specs=[e_spec, w_spec, b_spec],
            out_specs=out_spec,
            out_shape=out_shape,
        )(e, w, b2d)
    return pl.pallas_call(
        _proj_body_acc,
        grid=grid,
        in_specs=[
            pl.BlockSpec(memory_space=pl.ANY),
            e_spec,
            w_spec,
            b_spec,
        ],
        out_specs=out_spec,
        out_shape=out_shape,
        input_output_aliases={0: 0},
    )(big, e, w, b2d)


def _padT_body(t_ref, i_ref, o_ref):
    o_ref[...] = lax.dot_general(
        t_ref[...], i_ref[...], (((0,), (0,)), ((), ())),
        preferred_element_type=jnp.float32,
        precision=lax.Precision.HIGHEST,
    )


def _tc_padT(tableT, nblk, tblk):
    eye = jnp.eye(EMBED_DIM, 2 * EMBED_DIM, dtype=jnp.float32)
    return pl.pallas_call(
        _padT_body,
        grid=(nblk,),
        in_specs=[
            pl.BlockSpec((EMBED_DIM, tblk), lambda i: (0, i)),
            pl.BlockSpec((EMBED_DIM, 2 * EMBED_DIM), lambda i: (0, 0)),
        ],
        out_specs=pl.BlockSpec((tblk, 2 * EMBED_DIM), lambda i: (i, 0)),
        out_shape=jax.ShapeDtypeStruct((nblk * tblk, 2 * EMBED_DIM), jnp.float32),
    )(tableT, eye)


_NCH = 4


def kernel(times, table, W, b):
    bsz, seq = times.shape
    n_rows = bsz * seq
    flat_idx = _sc_flatten(times.astype(jnp.int32), n_rows)
    nv = table.shape[0]
    tblk = 8192
    nblk = (nv + tblk - 1) // tblk
    tpad = _tc_padT(table.T, nblk, tblk)
    table2 = tpad.reshape(2 * nblk * tblk, EMBED_DIM)
    frc = n_rows // 128 // _NCH
    rows_c = n_rows // _NCH
    kfr = 4 if (rows_c // _NW) % 512 == 0 else 2
    b2d = b.reshape(1, OUT_DIM)
    big = None
    for c in range(_NCH):
        fc = lax.slice(flat_idx, (c * frc, 0), ((c + 1) * frc, 128))
        e3 = _sc_gather(table2, fc, rows_c, kfr)
        e = e3.reshape(rows_c, 2 * EMBED_DIM)
        big = _tc_project_chunk(big, e, W, b2d, n_rows, 8192, c, _NCH)
    return big.reshape(bsz, seq, OUT_DIM)

# --- scband reference (transcript-rebuilt; emitter-appended) ---
"""Pipeline reference for scband-time-embedding-25658134626646 (READ-ONLY COPY).

The authoritative reference and input builder live on the scoring server;
editing this copy changes nothing except your own understanding.
"""

import jax, jax.numpy as jnp
import numpy as np

MAX_TIME = 1000000
EMBED_DIM = 64
OUT_DIM = 128
B, L = 4096, 200

def setup_inputs(seed: int = 0) -> dict:
    key = jax.random.key(seed)
    k1, k2, k3, k4 = jax.random.split(key, 4)
    times = jax.random.randint(k1, (B, L), 0, MAX_TIME + 1, dtype=jnp.int64 if jax.config.jax_enable_x64 else jnp.int32)
    table = jax.random.normal(k2, (MAX_TIME + 1, EMBED_DIM), dtype=jnp.float32)
    W = jax.random.normal(k3, (OUT_DIM, EMBED_DIM), dtype=jnp.float32) * (1.0 / np.sqrt(EMBED_DIM))
    b = jax.random.normal(k4, (OUT_DIM,), dtype=jnp.float32) * 0.01
    return {"times": times, "table": table, "W": W, "b": b}

def reference(times, table, W, b):
    # nn.Embedding: gather rows of the table
    e = jnp.take(table, times, axis=0)            # [B, L, EMBED_DIM]
    # nn.GELU() default in torch is exact (erf-based)
    h = jax.nn.gelu(e, approximate=False)
    # nn.Linear: x @ W.T + b
    out = jnp.einsum('bld,od->blo', h, W) + b     # [B, L, OUT_DIM]
    return out

if __name__ == "__main__":
    import jax
    _d = setup_inputs()
    print(jax.jit(kernel)(*tuple(_d.values())))

</pallas_src>

<mosaic_0001>
#map = affine_map<(d0, d1) -> (0, 0)>
#map1 = affine_map<(d0, d1) -> (0, 0, 0)>
module attributes {stable_mosaic.version = 14 : i64} {
  func.func @gather_kernel(%arg0: i32, %arg1: i32, %arg2: memref<2015232x64xf32, #tpu.memory_space<hbm>>, %arg3: memref<1600x128xi32, #tpu.memory_space<hbm>>, %arg4: memref<1600x128x128xf32, #tpu.memory_space<hbm>>, %arg5: memref<2x128xi32, #tpu.memory_space<vmem>>, %arg6: memref<2x128x64xf32, #tpu.memory_space<vmem>>, %arg7: memref<!tpu.dma_semaphore, #tpu.memory_space<semaphore_mem>>) attributes {dimension_semantics = [#tpu.dimension_semantics<core_parallel>, #tpu.dimension_semantics<subcore_parallel>], iteration_bounds = array<i64: 2, 16>, scalar_prefetch = 0 : i64, scratch_operands = 3 : i64, tpu.core_type = #tpu.core_type<sc_vector_subcore>, window_params = [{transform_indices = #map}, {transform_indices = #map}, {transform_indices = #map1}]} {
    %mul3A = arith.constant 2 : i32
    %mul3A_0 = arith.muli %arg1, %mul3A : i32
    %add3A = arith.addi %mul3A_0, %arg0 : i32
    %mul3A_1 = arith.constant 50 : i32
    %mul3A_2 = arith.muli %add3A, %mul3A_1 : i32
    %scan3A = arith.constant 0 : i32
    %scan3A_3 = arith.constant 0 : i32
    %scan3A_4 = arith.constant 25 : i32
    %scan3A_5 = arith.addi %scan3A_3, %scan3A_4 : i32
    %scan3A_6 = arith.constant 1 : i32
    scf.for %scan3A_8 = %scan3A_3 to %scan3A_5 step %scan3A_6  : i32 {
      %mul3A_9 = arith.constant 2 : i32
      %mul3A_10 = arith.muli %scan3A_8, %mul3A_9 : i32
      %add3A_11 = arith.addi %mul3A_2, %mul3A_10 : i32
      "tpu.region"() ({
        %run_scoped3A = tpu.sem_alloc : memref<!tpu.dma_semaphore, #tpu.memory_space<semaphore_mem>>
        %dma_start3A_58 = arith.constant 0 : i32
        %dma_start3A_59 = tpu.memref_slice %arg3[%add3A_11, %dma_start3A_58] : memref<1600x128xi32, #tpu.memory_space<hbm>> -> memref<2x128xi32, #tpu.memory_space<hbm>>
        %dma_start3A_60 = arith.constant 0 : i32
        %dma_start3A_61 = tpu.memref_slice %arg3[%add3A_11, %dma_start3A_60] : memref<1600x128xi32, #tpu.memory_space<hbm>> -> memref<2x128xi32, #tpu.memory_space<hbm>>
        tpu.enqueue_dma source(%dma_start3A_61 : memref<2x128xi32, #tpu.memory_space<hbm>>) target(%arg5 : memref<2x128xi32, #tpu.memory_space<vmem>>) target_semaphore(%run_scoped3A : memref<!tpu.dma_semaphore, #tpu.memory_space<semaphore_mem>>)
        %dma_wait3A_62 = arith.constant 0 : i32
        %dma_wait3A_63 = tpu.memref_slice %arg3[%add3A_11, %dma_wait3A_62] : memref<1600x128xi32, #tpu.memory_space<hbm>> -> memref<2x128xi32, #tpu.memory_space<hbm>>
        %dma_wait3A_64 = arith.constant 0 : i32
        %dma_wait3A_65 = tpu.memref_slice %arg3[%add3A_11, %dma_wait3A_64] : memref<1600x128xi32, #tpu.memory_space<hbm>> -> memref<2x128xi32, #tpu.memory_space<hbm>>
        tpu.wait_dma2 semaphore(%run_scoped3A : memref<!tpu.dma_semaphore, #tpu.memory_space<semaphore_mem>>) src(%dma_wait3A_65 : memref<2x128xi32, #tpu.memory_space<hbm>>) dst(%arg5 : memref<2x128xi32, #tpu.memory_space<vmem>>)
        tpu.yield
      }) : () -> ()
      %dma_start3A = arith.constant 0 : i32
      %dma_start3A_12 = arith.constant 0 : i32
      %dma_start3A_13 = arith.constant 0 : i32
      %dma_start3A_14 = arith.constant 0 : i32
      %dma_start3A_15 = tpu.memref_slice %arg6[%dma_start3A_12, %dma_start3A_13, %dma_start3A_14] : memref<2x128x64xf32, #tpu.memory_space<vmem>> -> memref<1x128x64xf32, #tpu.memory_space<vmem>>
      %dma_start3A_16 = tpu.memref_squeeze %dma_start3A_15 : memref<1x128x64xf32, #tpu.memory_space<vmem>> -> memref<128x64xf32, #tpu.memory_space<vmem>>
      %dma_start3A_17 = arith.constant 0 : i32
      %dma_start3A_18 = tpu.memref_slice %arg5[%dma_start3A, %dma_start3A_17] : memref<2x128xi32, #tpu.memory_space<vmem>> -> memref<1x128xi32, #tpu.memory_space<vmem>>
      %dma_start3A_19 = tpu.memref_squeeze %dma_start3A_18 : memref<1x128xi32, #tpu.memory_space<vmem>> -> memref<128xi32, #tpu.memory_space<vmem>>
      %dma_start3A_20 = arith.constant 0 : i32
      %dma_start3A_21 = arith.constant 0 : i32
      %dma_start3A_22 = tpu.memref_slice %arg2[%dma_start3A_20, %dma_start3A_21] : memref<2015232x64xf32, #tpu.memory_space<hbm>> -> memref<2015232x64xf32, #tpu.memory_space<hbm>>
      tpu.enqueue_indirect_dma source(%dma_start3A_22 : memref<2015232x64xf32, #tpu.memory_space<hbm>>) target(%dma_start3A_16 : memref<128x64xf32, #tpu.memory_space<vmem>>) offsets(%dma_start3A_19 : memref<128xi32, #tpu.memory_space<vmem>>) semaphore(%arg7 : memref<!tpu.dma_semaphore, #tpu.memory_space<semaphore_mem>>)
      %dma_start3A_23 = arith.constant 1 : i32
      %dma_start3A_24 = arith.constant 1 : i32
      %dma_start3A_25 = arith.constant 0 : i32
      %dma_start3A_26 = arith.constant 0 : i32
      %dma_start3A_27 = tpu.memref_slice %arg6[%dma_start3A_24, %dma_start3A_25, %dma_start3A_26] : memref<2x128x64xf32, #tpu.memory_space<vmem>> -> memref<1x128x64xf32, #tpu.memory_space<vmem>>
      %dma_start3A_28 = tpu.memref_squeeze %dma_start3A_27 : memref<1x128x64xf32, #tpu.memory_space<vmem>> -> memref<128x64xf32, #tpu.memory_space<vmem>>
      %dma_start3A_29 = arith.constant 0 : i32
      %dma_start3A_30 = tpu.memref_slice %arg5[%dma_start3A_23, %dma_start3A_29] : memref<2x128xi32, #tpu.memory_space<vmem>> -> memref<1x128xi32, #tpu.memory_space<vmem>>
      %dma_start3A_31 = tpu.memref_squeeze %dma_start3A_30 : memref<1x128xi32, #tpu.memory_space<vmem>> -> memref<128xi32, #tpu.memory_space<vmem>>
      %dma_start3A_32 = arith.constant 0 : i32
      %dma_start3A_33 = arith.constant 0 : i32
      %dma_start3A_34 = tpu.memref_slice %arg2[%dma_start3A_32, %dma_start3A_33] : memref<2015232x64xf32, #tpu.memory_space<hbm>> -> memref<2015232x64xf32, #tpu.memory_space<hbm>>
      tpu.enqueue_indirect_dma source(%dma_start3A_34 : memref<2015232x64xf32, #tpu.memory_space<hbm>>) target(%dma_start3A_28 : memref<128x64xf32, #tpu.memory_space<vmem>>) offsets(%dma_start3A_31 : memref<128xi32, #tpu.memory_space<vmem>>) semaphore(%arg7 : memref<!tpu.dma_semaphore, #tpu.memory_space<semaphore_mem>>)
      %dma_wait3A = arith.constant 0 : i32
      %dma_wait3A_35 = arith.constant 0 : i32
      %dma_wait3A_36 = arith.constant 0 : i32
      %dma_wait3A_37 = arith.constant 0 : i32
      %dma_wait3A_38 = tpu.memref_slice %arg6[%dma_wait3A_35, %dma_wait3A_36, %dma_wait3A_37] : memref<2x128x64xf32, #tpu.memory_space<vmem>> -> memref<1x128x64xf32, #tpu.memory_space<vmem>>
      %dma_wait3A_39 = tpu.memref_squeeze %dma_wait3A_38 : memref<1x128x64xf32, #tpu.memory_space<vmem>> -> memref<128x64xf32, #tpu.memory_space<vmem>>
      %dma_wait3A_40 = arith.constant 0 : i32
      %dma_wait3A_41 = tpu.memref_slice %arg5[%dma_wait3A, %dma_wait3A_40] : memref<2x128xi32, #tpu.memory_space<vmem>> -> memref<1x128xi32, #tpu.memory_space<vmem>>
      %dma_wait3A_42 = tpu.memref_squeeze %dma_wait3A_41 : memref<1x128xi32, #tpu.memory_space<vmem>> -> memref<128xi32, #tpu.memory_space<vmem>>
      %dma_wait3A_43 = arith.constant 0 : i32
      %dma_wait3A_44 = arith.constant 0 : i32
      %dma_wait3A_45 = tpu.memref_slice %arg2[%dma_wait3A_43, %dma_wait3A_44] : memref<2015232x64xf32, #tpu.memory_space<hbm>> -> memref<2015232x64xf32, #tpu.memory_space<hbm>>
      tpu.wait_indirect_dma semaphore(%arg7 : memref<!tpu.dma_semaphore, #tpu.memory_space<semaphore_mem>>) src(%dma_wait3A_45 : memref<2015232x64xf32, #tpu.memory_space<hbm>>) dst(%dma_wait3A_39 : memref<128x64xf32, #tpu.memory_space<vmem>>)
      %dma_wait3A_46 = arith.constant 1 : i32
      %dma_wait3A_47 = arith.constant 1 : i32
      %dma_wait3A_48 = arith.constant 0 : i32
      %dma_wait3A_49 = arith.constant 0 : i32
      %dma_wait3A_50 = tpu.memref_slice %arg6[%dma_wait3A_47, %dma_wait3A_48, %dma_wait3A_49] : memref<2x128x64xf32, #tpu.memory_space<vmem>> -> memref<1x128x64xf32, #tpu.memory_space<vmem>>
      %dma_wait3A_51 = tpu.memref_squeeze %dma_wait3A_50 : memref<1x128x64xf32, #tpu.memory_space<vmem>> -> memref<128x64xf32, #tpu.memory_space<vmem>>
      %dma_wait3A_52 = arith.constant 0 : i32
      %dma_wait3A_53 = tpu.memref_slice %arg5[%dma_wait3A_46, %dma_wait3A_52] : memref<2x128xi32, #tpu.memory_space<vmem>> -> memref<1x128xi32, #tpu.memory_space<vmem>>
      %dma_wait3A_54 = tpu.memref_squeeze %dma_wait3A_53 : memref<1x128xi32, #tpu.memory_space<vmem>> -> memref<128xi32, #tpu.memory_space<vmem>>
      %dma_wait3A_55 = arith.constant 0 : i32
      %dma_wait3A_56 = arith.constant 0 : i32
      %dma_wait3A_57 = tpu.memref_slice %arg2[%dma_wait3A_55, %dma_wait3A_56] : memref<2015232x64xf32, #tpu.memory_space<hbm>> -> memref<2015232x64xf32, #tpu.memory_space<hbm>>
      tpu.wait_indirect_dma semaphore(%arg7 : memref<!tpu.dma_semaphore, #tpu.memory_space<semaphore_mem>>) src(%dma_wait3A_57 : memref<2015232x64xf32, #tpu.memory_space<hbm>>) dst(%dma_wait3A_51 : memref<128x64xf32, #tpu.memory_space<vmem>>)
      "tpu.region"() ({
        %run_scoped3A = tpu.sem_alloc : memref<!tpu.dma_semaphore, #tpu.memory_space<semaphore_mem>>
        %dma_start3A_58 = arith.constant 0 : i32
        %dma_start3A_59 = arith.constant 0 : i32
        %dma_start3A_60 = tpu.memref_slice %arg4[%add3A_11, %dma_start3A_58, %dma_start3A_59] : memref<1600x128x128xf32, #tpu.memory_space<hbm>> -> memref<2x128x64xf32, #tpu.memory_space<hbm>>
        %dma_start3A_61 = arith.constant 0 : i32
        %dma_start3A_62 = arith.constant 0 : i32
        %dma_start3A_63 = tpu.memref_slice %arg4[%add3A_11, %dma_start3A_61, %dma_start3A_62] : memref<1600x128x128xf32, #tpu.memory_space<hbm>> -> memref<2x128x64xf32, #tpu.memory_space<hbm>>
        tpu.enqueue_dma source(%arg6 : memref<2x128x64xf32, #tpu.memory_space<vmem>>) target(%dma_start3A_63 : memref<2x128x64xf32, #tpu.memory_space<hbm>>) target_semaphore(%run_scoped3A : memref<!tpu.dma_semaphore, #tpu.memory_space<semaphore_mem>>)
        %dma_wait3A_64 = arith.constant 0 : i32
        %dma_wait3A_65 = arith.constant 0 : i32
        %dma_wait3A_66 = tpu.memref_slice %arg4[%add3A_11, %dma_wait3A_64, %dma_wait3A_65] : memref<1600x128x128xf32, #tpu.memory_space<hbm>> -> memref<2x128x64xf32, #tpu.memory_space<hbm>>
        %dma_wait3A_67 = arith.constant 0 : i32
        %dma_wait3A_68 = arith.constant 0 : i32
        %dma_wait3A_69 = tpu.memref_slice %arg4[%add3A_11, %dma_wait3A_67, %dma_wait3A_68] : memref<1600x128x128xf32, #tpu.memory_space<hbm>> -> memref<2x128x64xf32, #tpu.memory_space<hbm>>
        tpu.wait_dma2 semaphore(%run_scoped3A : memref<!tpu.dma_semaphore, #tpu.memory_space<semaphore_mem>>) src(%arg6 : memref<2x128x64xf32, #tpu.memory_space<vmem>>) dst(%dma_wait3A_69 : memref<2x128x64xf32, #tpu.memory_space<hbm>>)
        tpu.yield
      }) : () -> ()
    }
    %scan3A_7 = arith.constant 25 : i32
    return
  }
}

#map = affine_map<(d0, d1) -> (0, 0)>
#map1 = affine_map<(d0, d1) -> (0, 0, 0)>
module attributes {stable_mosaic.version = 14 : i64} {
  func.func @gather_kernel(%arg0: i32, %arg1: i32, %arg2: memref<2015232x64xf32, #tpu.memory_space<hbm>>, %arg3: memref<1600x128xi32, #tpu.memory_space<hbm>>, %arg4: memref<1600x128x128xf32, #tpu.memory_space<hbm>>, %arg5: memref<2x128xi32, #tpu.memory_space<vmem>>, %arg6: memref<2x128x64xf32, #tpu.memory_space<vmem>>, %arg7: memref<!tpu.dma_semaphore, #tpu.memory_space<semaphore_mem>>) attributes {dimension_semantics = [#tpu.dimension_semantics<core_parallel>, #tpu.dimension_semantics<subcore_parallel>], iteration_bounds = array<i64: 2, 16>, scalar_prefetch = 0 : i64, scratch_operands = 3 : i64, tpu.core_type = #tpu.core_type<sc_vector_subcore>, window_params = [{transform_indices = #map}, {transform_indices = #map}, {transform_indices = #map1}]} {
    %mul3A = arith.constant 2 : i32
    %mul3A_0 = arith.muli %arg1, %mul3A : i32
    %add3A = arith.addi %mul3A_0, %arg0 : i32
    %mul3A_1 = arith.constant 50 : i32
    %mul3A_2 = arith.muli %add3A, %mul3A_1 : i32
    %scan3A = arith.constant 0 : i32
    %scan3A_3 = arith.constant 0 : i32
    %scan3A_4 = arith.constant 25 : i32
    %scan3A_5 = arith.addi %scan3A_3, %scan3A_4 : i32
    %scan3A_6 = arith.constant 1 : i32
    scf.for %scan3A_8 = %scan3A_3 to %scan3A_5 step %scan3A_6  : i32 {
      %mul3A_9 = arith.constant 2 : i32
      %mul3A_10 = arith.muli %scan3A_8, %mul3A_9 : i32
      %add3A_11 = arith.addi %mul3A_2, %mul3A_10 : i32
      "tpu.region"() ({
        %run_scoped3A = tpu.sem_alloc : memref<!tpu.dma_semaphore, #tpu.memory_space<semaphore_mem>>
        %dma_start3A_58 = arith.constant 0 : i32
        %dma_start3A_59 = tpu.memref_slice %arg3[%add3A_11, %dma_start3A_58] : memref<1600x128xi32, #tpu.memory_space<hbm>> -> memref<2x128xi32, #tpu.memory_space<hbm>>
        %dma_start3A_60 = arith.constant 0 : i32
        %dma_start3A_61 = tpu.memref_slice %arg3[%add3A_11, %dma_start3A_60] : memref<1600x128xi32, #tpu.memory_space<hbm>> -> memref<2x128xi32, #tpu.memory_space<hbm>>
        tpu.enqueue_dma source(%dma_start3A_61 : memref<2x128xi32, #tpu.memory_space<hbm>>) target(%arg5 : memref<2x128xi32, #tpu.memory_space<vmem>>) target_semaphore(%run_scoped3A : memref<!tpu.dma_semaphore, #tpu.memory_space<semaphore_mem>>)
        %dma_wait3A_62 = arith.constant 0 : i32
        %dma_wait3A_63 = tpu.memref_slice %arg3[%add3A_11, %dma_wait3A_62] : memref<1600x128xi32, #tpu.memory_space<hbm>> -> memref<2x128xi32, #tpu.memory_space<hbm>>
        %dma_wait3A_64 = arith.constant 0 : i32
        %dma_wait3A_65 = tpu.memref_slice %arg3[%add3A_11, %dma_wait3A_64] : memref<1600x128xi32, #tpu.memory_space<hbm>> -> memref<2x128xi32, #tpu.memory_space<hbm>>
        tpu.wait_dma2 semaphore(%run_scoped3A : memref<!tpu.dma_semaphore, #tpu.memory_space<semaphore_mem>>) src(%dma_wait3A_65 : memref<2x128xi32, #tpu.memory_space<hbm>>) dst(%arg5 : memref<2x128xi32, #tpu.memory_space<vmem>>)
        tpu.yield
      }) : () -> ()
      %dma_start3A = arith.constant 0 : i32
      %dma_start3A_12 = arith.constant 0 : i32
      %dma_start3A_13 = arith.constant 0 : i32
      %dma_start3A_14 = arith.constant 0 : i32
      %dma_start3A_15 = tpu.memref_slice %arg6[%dma_start3A_12, %dma_start3A_13, %dma_start3A_14] : memref<2x128x64xf32, #tpu.memory_space<vmem>> -> memref<1x128x64xf32, #tpu.memory_space<vmem>>
      %dma_start3A_16 = tpu.memref_squeeze %dma_start3A_15 : memref<1x128x64xf32, #tpu.memory_space<vmem>> -> memref<128x64xf32, #tpu.memory_space<vmem>>
      %dma_start3A_17 = arith.constant 0 : i32
      %dma_start3A_18 = tpu.memref_slice %arg5[%dma_start3A, %dma_start3A_17] : memref<2x128xi32, #tpu.memory_space<vmem>> -> memref<1x128xi32, #tpu.memory_space<vmem>>
      %dma_start3A_19 = tpu.memref_squeeze %dma_start3A_18 : memref<1x128xi32, #tpu.memory_space<vmem>> -> memref<128xi32, #tpu.memory_space<vmem>>
      %dma_start3A_20 = arith.constant 0 : i32
      %dma_start3A_21 = arith.constant 0 : i32
      %dma_start3A_22 = tpu.memref_slice %arg2[%dma_start3A_20, %dma_start3A_21] : memref<2015232x64xf32, #tpu.memory_space<hbm>> -> memref<2015232x64xf32, #tpu.memory_space<hbm>>
      tpu.enqueue_indirect_dma source(%dma_start3A_22 : memref<2015232x64xf32, #tpu.memory_space<hbm>>) target(%dma_start3A_16 : memref<128x64xf32, #tpu.memory_space<vmem>>) offsets(%dma_start3A_19 : memref<128xi32, #tpu.memory_space<vmem>>) semaphore(%arg7 : memref<!tpu.dma_semaphore, #tpu.memory_space<semaphore_mem>>)
      %dma_start3A_23 = arith.constant 1 : i32
      %dma_start3A_24 = arith.constant 1 : i32
      %dma_start3A_25 = arith.constant 0 : i32
      %dma_start3A_26 = arith.constant 0 : i32
      %dma_start3A_27 = tpu.memref_slice %arg6[%dma_start3A_24, %dma_start3A_25, %dma_start3A_26] : memref<2x128x64xf32, #tpu.memory_space<vmem>> -> memref<1x128x64xf32, #tpu.memory_space<vmem>>
      %dma_start3A_28 = tpu.memref_squeeze %dma_start3A_27 : memref<1x128x64xf32, #tpu.memory_space<vmem>> -> memref<128x64xf32, #tpu.memory_space<vmem>>
      %dma_start3A_29 = arith.constant 0 : i32
      %dma_start3A_30 = tpu.memref_slice %arg5[%dma_start3A_23, %dma_start3A_29] : memref<2x128xi32, #tpu.memory_space<vmem>> -> memref<1x128xi32, #tpu.memory_space<vmem>>
      %dma_start3A_31 = tpu.memref_squeeze %dma_start3A_30 : memref<1x128xi32, #tpu.memory_space<vmem>> -> memref<128xi32, #tpu.memory_space<vmem>>
      %dma_start3A_32 = arith.constant 0 : i32
      %dma_start3A_33 = arith.constant 0 : i32
      %dma_start3A_34 = tpu.memref_slice %arg2[%dma_start3A_32, %dma_start3A_33] : memref<2015232x64xf32, #tpu.memory_space<hbm>> -> memref<2015232x64xf32, #tpu.memory_space<hbm>>
      tpu.enqueue_indirect_dma source(%dma_start3A_34 : memref<2015232x64xf32, #tpu.memory_space<hbm>>) target(%dma_start3A_28 : memref<128x64xf32, #tpu.memory_space<vmem>>) offsets(%dma_start3A_31 : memref<128xi32, #tpu.memory_space<vmem>>) semaphore(%arg7 : memref<!tpu.dma_semaphore, #tpu.memory_space<semaphore_mem>>)
      %dma_wait3A = arith.constant 0 : i32
      %dma_wait3A_35 = arith.constant 0 : i32
      %dma_wait3A_36 = arith.constant 0 : i32
      %dma_wait3A_37 = arith.constant 0 : i32
      %dma_wait3A_38 = tpu.memref_slice %arg6[%dma_wait3A_35, %dma_wait3A_36, %dma_wait3A_37] : memref<2x128x64xf32, #tpu.memory_space<vmem>> -> memref<1x128x64xf32, #tpu.memory_space<vmem>>
      %dma_wait3A_39 = tpu.memref_squeeze %dma_wait3A_38 : memref<1x128x64xf32, #tpu.memory_space<vmem>> -> memref<128x64xf32, #tpu.memory_space<vmem>>
      %dma_wait3A_40 = arith.constant 0 : i32
      %dma_wait3A_41 = tpu.memref_slice %arg5[%dma_wait3A, %dma_wait3A_40] : memref<2x128xi32, #tpu.memory_space<vmem>> -> memref<1x128xi32, #tpu.memory_space<vmem>>
      %dma_wait3A_42 = tpu.memref_squeeze %dma_wait3A_41 : memref<1x128xi32, #tpu.memory_space<vmem>> -> memref<128xi32, #tpu.memory_space<vmem>>
      %dma_wait3A_43 = arith.constant 0 : i32
      %dma_wait3A_44 = arith.constant 0 : i32
      %dma_wait3A_45 = tpu.memref_slice %arg2[%dma_wait3A_43, %dma_wait3A_44] : memref<2015232x64xf32, #tpu.memory_space<hbm>> -> memref<2015232x64xf32, #tpu.memory_space<hbm>>
      tpu.wait_indirect_dma semaphore(%arg7 : memref<!tpu.dma_semaphore, #tpu.memory_space<semaphore_mem>>) src(%dma_wait3A_45 : memref<2015232x64xf32, #tpu.memory_space<hbm>>) dst(%dma_wait3A_39 : memref<128x64xf32, #tpu.memory_space<vmem>>)
      %dma_wait3A_46 = arith.constant 1 : i32
      %dma_wait3A_47 = arith.constant 1 : i32
      %dma_wait3A_48 = arith.constant 0 : i32
      %dma_wait3A_49 = arith.constant 0 : i32
      %dma_wait3A_50 = tpu.memref_slice %arg6[%dma_wait3A_47, %dma_wait3A_48, %dma_wait3A_49] : memref<2x128x64xf32, #tpu.memory_space<vmem>> -> memref<1x128x64xf32, #tpu.memory_space<vmem>>
      %dma_wait3A_51 = tpu.memref_squeeze %dma_wait3A_50 : memref<1x128x64xf32, #tpu.memory_space<vmem>> -> memref<128x64xf32, #tpu.memory_space<vmem>>
      %dma_wait3A_52 = arith.constant 0 : i32
      %dma_wait3A_53 = tpu.memref_slice %arg5[%dma_wait3A_46, %dma_wait3A_52] : memref<2x128xi32, #tpu.memory_space<vmem>> -> memref<1x128xi32, #tpu.memory_space<vmem>>
      %dma_wait3A_54 = tpu.memref_squeeze %dma_wait3A_53 : memref<1x128xi32, #tpu.memory_space<vmem>> -> memref<128xi32, #tpu.memory_space<vmem>>
      %dma_wait3A_55 = arith.constant 0 : i32
      %dma_wait3A_56 = arith.constant 0 : i32
      %dma_wait3A_57 = tpu.memref_slice %arg2[%dma_wait3A_55, %dma_wait3A_56] : memref<2015232x64xf32, #tpu.memory_space<hbm>> -> memref<2015232x64xf32, #tpu.memory_space<hbm>>
      tpu.wait_indirect_dma semaphore(%arg7 : memref<!tpu.dma_semaphore, #tpu.memory_space<semaphore_mem>>) src(%dma_wait3A_57 : memref<2015232x64xf32, #tpu.memory_space<hbm>>) dst(%dma_wait3A_51 : memref<128x64xf32, #tpu.memory_space<vmem>>)
      "tpu.region"() ({
        %run_scoped3A = tpu.sem_alloc : memref<!tpu.dma_semaphore, #tpu.memory_space<semaphore_mem>>
        %dma_start3A_58 = arith.constant 0 : i32
        %dma_start3A_59 = arith.constant 0 : i32
        %dma_start3A_60 = tpu.memref_slice %arg4[%add3A_11, %dma_start3A_58, %dma_start3A_59] : memref<1600x128x128xf32, #tpu.memory_space<hbm>> -> memref<2x128x64xf32, #tpu.memory_space<hbm>>
        %dma_start3A_61 = arith.constant 0 : i32
        %dma_start3A_62 = arith.constant 0 : i32
        %dma_start3A_63 = tpu.memref_slice %arg4[%add3A_11, %dma_start3A_61, %dma_start3A_62] : memref<1600x128x128xf32, #tpu.memory_space<hbm>> -> memref<2x128x64xf32, #tpu.memory_space<hbm>>
        tpu.enqueue_dma source(%arg6 : memref<2x128x64xf32, #tpu.memory_space<vmem>>) target(%dma_start3A_63 : memref<2x128x64xf32, #tpu.memory_space<hbm>>) target_semaphore(%run_scoped3A : memref<!tpu.dma_semaphore, #tpu.memory_space<semaphore_mem>>)
        %dma_wait3A_64 = arith.constant 0 : i32
        %dma_wait3A_65 = arith.constant 0 : i32
        %dma_wait3A_66 = tpu.memref_slice %arg4[%add3A_11, %dma_wait3A_64, %dma_wait3A_65] : memref<1600x128x128xf32, #tpu.memory_space<hbm>> -> memref<2x128x64xf32, #tpu.memory_space<hbm>>
        %dma_wait3A_67 = arith.constant 0 : i32
        %dma_wait3A_68 = arith.constant 0 : i32
        %dma_wait3A_69 = tpu.memref_slice %arg4[%add3A_11, %dma_wait3A_67, %dma_wait3A_68] : memref<1600x128x128xf32, #tpu.memory_space<hbm>> -> memref<2x128x64xf32, #tpu.memory_space<hbm>>
        tpu.wait_dma2 semaphore(%run_scoped3A : memref<!tpu.dma_semaphore, #tpu.memory_space<semaphore_mem>>) src(%arg6 : memref<2x128x64xf32, #tpu.memory_space<vmem>>) dst(%dma_wait3A_69 : memref<2x128x64xf32, #tpu.memory_space<hbm>>)
        tpu.yield
      }) : () -> ()
    }
    %scan3A_7 = arith.constant 25 : i32
    return
  }
}

#map = affine_map<(d0, d1) -> (0, 0)>
#map1 = affine_map<(d0, d1) -> (0, 0, 0)>
module attributes {stable_mosaic.version = 14 : i64} {
  func.func @gather_kernel(%arg0: i32, %arg1: i32, %arg2: memref<2015232x64xf32, #tpu.memory_space<hbm>>, %arg3: memref<1600x128xi32, #tpu.memory_space<hbm>>, %arg4: memref<1600x128x128xf32, #tpu.memory_space<hbm>>, %arg5: memref<2x128xi32, #tpu.memory_space<vmem>>, %arg6: memref<2x128x64xf32, #tpu.memory_space<vmem>>, %arg7: memref<!tpu.dma_semaphore, #tpu.memory_space<semaphore_mem>>) attributes {dimension_semantics = [#tpu.dimension_semantics<core_parallel>, #tpu.dimension_semantics<subcore_parallel>], iteration_bounds = array<i64: 2, 16>, scalar_prefetch = 0 : i64, scratch_operands = 3 : i64, tpu.core_type = #tpu.core_type<sc_vector_subcore>, window_params = [{transform_indices = #map}, {transform_indices = #map}, {transform_indices = #map1}]} {
    %mul3A = arith.constant 2 : i32
    %mul3A_0 = arith.muli %arg1, %mul3A : i32
    %add3A = arith.addi %mul3A_0, %arg0 : i32
    %mul3A_1 = arith.constant 50 : i32
    %mul3A_2 = arith.muli %add3A, %mul3A_1 : i32
    %scan3A = arith.constant 0 : i32
    %scan3A_3 = arith.constant 0 : i32
    %scan3A_4 = arith.constant 25 : i32
    %scan3A_5 = arith.addi %scan3A_3, %scan3A_4 : i32
    %scan3A_6 = arith.constant 1 : i32
    scf.for %scan3A_8 = %scan3A_3 to %scan3A_5 step %scan3A_6  : i32 {
      %mul3A_9 = arith.constant 2 : i32
      %mul3A_10 = arith.muli %scan3A_8, %mul3A_9 : i32
      %add3A_11 = arith.addi %mul3A_2, %mul3A_10 : i32
      "tpu.region"() ({
        %run_scoped3A = tpu.sem_alloc : memref<!tpu.dma_semaphore, #tpu.memory_space<semaphore_mem>>
        %dma_start3A_58 = arith.constant 0 : i32
        %dma_start3A_59 = tpu.memref_slice %arg3[%add3A_11, %dma_start3A_58] : memref<1600x128xi32, #tpu.memory_space<hbm>> -> memref<2x128xi32, #tpu.memory_space<hbm>>
        %dma_start3A_60 = arith.constant 0 : i32
        %dma_start3A_61 = tpu.memref_slice %arg3[%add3A_11, %dma_start3A_60] : memref<1600x128xi32, #tpu.memory_space<hbm>> -> memref<2x128xi32, #tpu.memory_space<hbm>>
        tpu.enqueue_dma source(%dma_start3A_61 : memref<2x128xi32, #tpu.memory_space<hbm>>) target(%arg5 : memref<2x128xi32, #tpu.memory_space<vmem>>) target_semaphore(%run_scoped3A : memref<!tpu.dma_semaphore, #tpu.memory_space<semaphore_mem>>)
        %dma_wait3A_62 = arith.constant 0 : i32
        %dma_wait3A_63 = tpu.memref_slice %arg3[%add3A_11, %dma_wait3A_62] : memref<1600x128xi32, #tpu.memory_space<hbm>> -> memref<2x128xi32, #tpu.memory_space<hbm>>
        %dma_wait3A_64 = arith.constant 0 : i32
        %dma_wait3A_65 = tpu.memref_slice %arg3[%add3A_11, %dma_wait3A_64] : memref<1600x128xi32, #tpu.memory_space<hbm>> -> memref<2x128xi32, #tpu.memory_space<hbm>>
        tpu.wait_dma2 semaphore(%run_scoped3A : memref<!tpu.dma_semaphore, #tpu.memory_space<semaphore_mem>>) src(%dma_wait3A_65 : memref<2x128xi32, #tpu.memory_space<hbm>>) dst(%arg5 : memref<2x128xi32, #tpu.memory_space<vmem>>)
        tpu.yield
      }) : () -> ()
      %dma_start3A = arith.constant 0 : i32
      %dma_start3A_12 = arith.constant 0 : i32
      %dma_start3A_13 = arith.constant 0 : i32
      %dma_start3A_14 = arith.constant 0 : i32
      %dma_start3A_15 = tpu.memref_slice %arg6[%dma_start3A_12, %dma_start3A_13, %dma_start3A_14] : memref<2x128x64xf32, #tpu.memory_space<vmem>> -> memref<1x128x64xf32, #tpu.memory_space<vmem>>
      %dma_start3A_16 = tpu.memref_squeeze %dma_start3A_15 : memref<1x128x64xf32, #tpu.memory_space<vmem>> -> memref<128x64xf32, #tpu.memory_space<vmem>>
      %dma_start3A_17 = arith.constant 0 : i32
      %dma_start3A_18 = tpu.memref_slice %arg5[%dma_start3A, %dma_start3A_17] : memref<2x128xi32, #tpu.memory_space<vmem>> -> memref<1x128xi32, #tpu.memory_space<vmem>>
      %dma_start3A_19 = tpu.memref_squeeze %dma_start3A_18 : memref<1x128xi32, #tpu.memory_space<vmem>> -> memref<128xi32, #tpu.memory_space<vmem>>
      %dma_start3A_20 = arith.constant 0 : i32
      %dma_start3A_21 = arith.constant 0 : i32
      %dma_start3A_22 = tpu.memref_slice %arg2[%dma_start3A_20, %dma_start3A_21] : memref<2015232x64xf32, #tpu.memory_space<hbm>> -> memref<2015232x64xf32, #tpu.memory_space<hbm>>
      tpu.enqueue_indirect_dma source(%dma_start3A_22 : memref<2015232x64xf32, #tpu.memory_space<hbm>>) target(%dma_start3A_16 : memref<128x64xf32, #tpu.memory_space<vmem>>) offsets(%dma_start3A_19 : memref<128xi32, #tpu.memory_space<vmem>>) semaphore(%arg7 : memref<!tpu.dma_semaphore, #tpu.memory_space<semaphore_mem>>)
      %dma_start3A_23 = arith.constant 1 : i32
      %dma_start3A_24 = arith.constant 1 : i32
      %dma_start3A_25 = arith.constant 0 : i32
      %dma_start3A_26 = arith.constant 0 : i32
      %dma_start3A_27 = tpu.memref_slice %arg6[%dma_start3A_24, %dma_start3A_25, %dma_start3A_26] : memref<2x128x64xf32, #tpu.memory_space<vmem>> -> memref<1x128x64xf32, #tpu.memory_space<vmem>>
      %dma_start3A_28 = tpu.memref_squeeze %dma_start3A_27 : memref<1x128x64xf32, #tpu.memory_space<vmem>> -> memref<128x64xf32, #tpu.memory_space<vmem>>
      %dma_start3A_29 = arith.constant 0 : i32
      %dma_start3A_30 = tpu.memref_slice %arg5[%dma_start3A_23, %dma_start3A_29] : memref<2x128xi32, #tpu.memory_space<vmem>> -> memref<1x128xi32, #tpu.memory_space<vmem>>
      %dma_start3A_31 = tpu.memref_squeeze %dma_start3A_30 : memref<1x128xi32, #tpu.memory_space<vmem>> -> memref<128xi32, #tpu.memory_space<vmem>>
      %dma_start3A_32 = arith.constant 0 : i32
      %dma_start3A_33 = arith.constant 0 : i32
      %dma_start3A_34 = tpu.memref_slice %arg2[%dma_start3A_32, %dma_start3A_33] : memref<2015232x64xf32, #tpu.memory_space<hbm>> -> memref<2015232x64xf32, #tpu.memory_space<hbm>>
      tpu.enqueue_indirect_dma source(%dma_start3A_34 : memref<2015232x64xf32, #tpu.memory_space<hbm>>) target(%dma_start3A_28 : memref<128x64xf32, #tpu.memory_space<vmem>>) offsets(%dma_start3A_31 : memref<128xi32, #tpu.memory_space<vmem>>) semaphore(%arg7 : memref<!tpu.dma_semaphore, #tpu.memory_space<semaphore_mem>>)
      %dma_wait3A = arith.constant 0 : i32
      %dma_wait3A_35 = arith.constant 0 : i32
      %dma_wait3A_36 = arith.constant 0 : i32
      %dma_wait3A_37 = arith.constant 0 : i32
      %dma_wait3A_38 = tpu.memref_slice %arg6[%dma_wait3A_35, %dma_wait3A_36, %dma_wait3A_37] : memref<2x128x64xf32, #tpu.memory_space<vmem>> -> memref<1x128x64xf32, #tpu.memory_space<vmem>>
      %dma_wait3A_39 = tpu.memref_squeeze %dma_wait3A_38 : memref<1x128x64xf32, #tpu.memory_space<vmem>> -> memref<128x64xf32, #tpu.memory_space<vmem>>
      %dma_wait3A_40 = arith.constant 0 : i32
      %dma_wait3A_41 = tpu.memref_slice %arg5[%dma_wait3A, %dma_wait3A_40] : memref<2x128xi32, #tpu.memory_space<vmem>> -> memref<1x128xi32, #tpu.memory_space<vmem>>
      %dma_wait3A_42 = tpu.memref_squeeze %dma_wait3A_41 : memref<1x128xi32, #tpu.memory_space<vmem>> -> memref<128xi32, #tpu.memory_space<vmem>>
      %dma_wait3A_43 = arith.constant 0 : i32
      %dma_wait3A_44 = arith.constant 0 : i32
      %dma_wait3A_45 = tpu.memref_slice %arg2[%dma_wait3A_43, %dma_wait3A_44] : memref<2015232x64xf32, #tpu.memory_space<hbm>> -> memref<2015232x64xf32, #tpu.memory_space<hbm>>
      tpu.wait_indirect_dma semaphore(%arg7 : memref<!tpu.dma_semaphore, #tpu.memory_space<semaphore_mem>>) src(%dma_wait3A_45 : memref<2015232x64xf32, #tpu.memory_space<hbm>>) dst(%dma_wait3A_39 : memref<128x64xf32, #tpu.memory_space<vmem>>)
      %dma_wait3A_46 = arith.constant 1 : i32
      %dma_wait3A_47 = arith.constant 1 : i32
      %dma_wait3A_48 = arith.constant 0 : i32
      %dma_wait3A_49 = arith.constant 0 : i32
      %dma_wait3A_50 = tpu.memref_slice %arg6[%dma_wait3A_47, %dma_wait3A_48, %dma_wait3A_49] : memref<2x128x64xf32, #tpu.memory_space<vmem>> -> memref<1x128x64xf32, #tpu.memory_space<vmem>>
      %dma_wait3A_51 = tpu.memref_squeeze %dma_wait3A_50 : memref<1x128x64xf32, #tpu.memory_space<vmem>> -> memref<128x64xf32, #tpu.memory_space<vmem>>
      %dma_wait3A_52 = arith.constant 0 : i32
      %dma_wait3A_53 = tpu.memref_slice %arg5[%dma_wait3A_46, %dma_wait3A_52] : memref<2x128xi32, #tpu.memory_space<vmem>> -> memref<1x128xi32, #tpu.memory_space<vmem>>
      %dma_wait3A_54 = tpu.memref_squeeze %dma_wait3A_53 : memref<1x128xi32, #tpu.memory_space<vmem>> -> memref<128xi32, #tpu.memory_space<vmem>>
      %dma_wait3A_55 = arith.constant 0 : i32
      %dma_wait3A_56 = arith.constant 0 : i32
      %dma_wait3A_57 = tpu.memref_slice %arg2[%dma_wait3A_55, %dma_wait3A_56] : memref<2015232x64xf32, #tpu.memory_space<hbm>> -> memref<2015232x64xf32, #tpu.memory_space<hbm>>
      tpu.wait_indirect_dma semaphore(%arg7 : memref<!tpu.dma_semaphore, #tpu.memory_space<semaphore_mem>>) src(%dma_wait3A_57 : memref<2015232x64xf32, #tpu.memory_space<hbm>>) dst(%dma_wait3A_51 : memref<128x64xf32, #tpu.memory_space<vmem>>)
      "tpu.region"() ({
        %run_scoped3A = tpu.sem_alloc : memref<!tpu.dma_semaphore, #tpu.memory_space<semaphore_mem>>
        %dma_start3A_58 = arith.constant 0 : i32
        %dma_start3A_59 = arith.constant 0 : i32
        %dma_start3A_60 = tpu.memref_slice %arg4[%add3A_11, %dma_start3A_58, %dma_start3A_59] : memref<1600x128x128xf32, #tpu.memory_space<hbm>> -> memref<2x128x64xf32, #tpu.memory_space<hbm>>
        %dma_start3A_61 = arith.constant 0 : i32
        %dma_start3A_62 = arith.constant 0 : i32
        %dma_start3A_63 = tpu.memref_slice %arg4[%add3A_11, %dma_start3A_61, %dma_start3A_62] : memref<1600x128x128xf32, #tpu.memory_space<hbm>> -> memref<2x128x64xf32, #tpu.memory_space<hbm>>
        tpu.enqueue_dma source(%arg6 : memref<2x128x64xf32, #tpu.memory_space<vmem>>) target(%dma_start3A_63 : memref<2x128x64xf32, #tpu.memory_space<hbm>>) target_semaphore(%run_scoped3A : memref<!tpu.dma_semaphore, #tpu.memory_space<semaphore_mem>>)
        %dma_wait3A_64 = arith.constant 0 : i32
        %dma_wait3A_65 = arith.constant 0 : i32
        %dma_wait3A_66 = tpu.memref_slice %arg4[%add3A_11, %dma_wait3A_64, %dma_wait3A_65] : memref<1600x128x128xf32, #tpu.memory_space<hbm>> -> memref<2x128x64xf32, #tpu.memory_space<hbm>>
        %dma_wait3A_67 = arith.constant 0 : i32
        %dma_wait3A_68 = arith.constant 0 : i32
        %dma_wait3A_69 = tpu.memref_slice %arg4[%add3A_11, %dma_wait3A_67, %dma_wait3A_68] : memref<1600x128x128xf32, #tpu.memory_space<hbm>> -> memref<2x128x64xf32, #tpu.memory_space<hbm>>
        tpu.wait_dma2 semaphore(%run_scoped3A : memref<!tpu.dma_semaphore, #tpu.memory_space<semaphore_mem>>) src(%arg6 : memref<2x128x64xf32, #tpu.memory_space<vmem>>) dst(%dma_wait3A_69 : memref<2x128x64xf32, #tpu.memory_space<hbm>>)
        tpu.yield
      }) : () -> ()
    }
    %scan3A_7 = arith.constant 25 : i32
    return
  }
}

#map = affine_map<(d0, d1) -> (0, 0)>
module attributes {stable_mosaic.version = 14 : i64} {
  func.func @flat_kernel(%arg0: i32, %arg1: i32, %arg2: memref<4096x200xi32, #tpu.memory_space<hbm>>, %arg3: memref<6400x128xi32, #tpu.memory_space<hbm>>, %arg4: memref<128x200xi32, #tpu.memory_space<vmem>>, %arg5: memref<200x128xi32, #tpu.memory_space<vmem>>) attributes {dimension_semantics = [#tpu.dimension_semantics<core_parallel>, #tpu.dimension_semantics<subcore_parallel>], iteration_bounds = array<i64: 2, 16>, scalar_prefetch = 0 : i64, scratch_operands = 2 : i64, tpu.core_type = #tpu.core_type<sc_vector_subcore>, window_params = [{transform_indices = #map}, {transform_indices = #map}]} {
    %mul3A = arith.constant 2 : i32
    %mul3A_0 = arith.muli %arg1, %mul3A : i32
    %add3A = arith.addi %mul3A_0, %arg0 : i32
    %mul3A_1 = arith.constant 128 : i32
    %mul3A_2 = arith.muli %add3A, %mul3A_1 : i32
    %multiple_of3A = tpu.assume_multiple %mul3A_2, 8 : i32
    %mul3A_3 = arith.constant 200 : i32
    %mul3A_4 = arith.muli %add3A, %mul3A_3 : i32
    %multiple_of3A_5 = tpu.assume_multiple %mul3A_4, 8 : i32
    %iota3A = tpu.iota {dimensions = array<i32: 0>} : vector<16xi32>
    "tpu.region"() ({
      %run_scoped3A = tpu.sem_alloc : memref<!tpu.dma_semaphore, #tpu.memory_space<semaphore_mem>>
      %dma_start3A = arith.constant 0 : i32
      %dma_start3A_11 = tpu.memref_slice %arg2[%multiple_of3A, %dma_start3A] : memref<4096x200xi32, #tpu.memory_space<hbm>> -> memref<128x200xi32, #tpu.memory_space<hbm>>
      %dma_start3A_12 = arith.constant 0 : i32
      %dma_start3A_13 = tpu.memref_slice %arg2[%multiple_of3A, %dma_start3A_12] : memref<4096x200xi32, #tpu.memory_space<hbm>> -> memref<128x200xi32, #tpu.memory_space<hbm>>
      tpu.enqueue_dma source(%dma_start3A_13 : memref<128x200xi32, #tpu.memory_space<hbm>>) target(%arg4 : memref<128x200xi32, #tpu.memory_space<vmem>>) target_semaphore(%run_scoped3A : memref<!tpu.dma_semaphore, #tpu.memory_space<semaphore_mem>>)
      %dma_wait3A = arith.constant 0 : i32
      %dma_wait3A_14 = tpu.memref_slice %arg2[%multiple_of3A, %dma_wait3A] : memref<4096x200xi32, #tpu.memory_space<hbm>> -> memref<128x200xi32, #tpu.memory_space<hbm>>
      %dma_wait3A_15 = arith.constant 0 : i32
      %dma_wait3A_16 = tpu.memref_slice %arg2[%multiple_of3A, %dma_wait3A_15] : memref<4096x200xi32, #tpu.memory_space<hbm>> -> memref<128x200xi32, #tpu.memory_space<hbm>>
      tpu.wait_dma2 semaphore(%run_scoped3A : memref<!tpu.dma_semaphore, #tpu.memory_space<semaphore_mem>>) src(%dma_wait3A_16 : memref<128x200xi32, #tpu.memory_space<hbm>>) dst(%arg4 : memref<128x200xi32, #tpu.memory_space<vmem>>)
      tpu.yield
    }) : () -> ()
    %scan3A = arith.constant 0 : i32
    %scan3A_6 = arith.constant 0 : i32
    %scan3A_7 = arith.constant 128 : i32
    %scan3A_8 = arith.addi %scan3A_6, %scan3A_7 : i32
    %scan3A_9 = arith.constant 1 : i32
    scf.for %scan3A_11 = %scan3A_6 to %scan3A_8 step %scan3A_9  : i32 {
      %mul3A_12 = arith.constant 200 : i32
      %mul3A_13 = arith.muli %scan3A_11, %mul3A_12 : i32
      %add3A_14 = arith.constant 0 : i32
      %add3A_15 = arith.addi %mul3A_13, %add3A_14 : i32
      %add3A_16 = vector.broadcast %add3A_15 : i32 to vector<16xi32>
      %add3A_17 = arith.addi %add3A_16, %iota3A : vector<16xi32>
      %shift_right_arithmetic3A = arith.constant 7 : i32
      %shift_right_arithmetic3A_18 = vector.broadcast %shift_right_arithmetic3A : i32 to vector<16xi32>
      %shift_right_arithmetic3A_19 = arith.shrsi %add3A_17, %shift_right_arithmetic3A_18 : vector<16xi32>
      %and3A = arith.constant 127 : i32
      %and3A_20 = vector.broadcast %and3A : i32 to vector<16xi32>
      %and3A_21 = arith.andi %add3A_17, %and3A_20 : vector<16xi32>
      %get3A = arith.index_cast %scan3A_11 : i32 to index
      %get3A_22 = arith.constant 0 : index
      %get3A_23 = tpu.vector_load %arg4[%get3A, %get3A_22] {strides = array<i32>} : memref<128x200xi32, #tpu.memory_space<vmem>>, vector<16xi32>,
      %mul3A_24 = arith.constant 2 : i32
      %mul3A_25 = vector.broadcast %mul3A_24 : i32 to vector<16xi32>
      %mul3A_26 = arith.muli %get3A_23, %mul3A_25 : vector<16xi32>
      tpu.vector_store_idx %arg5[%shift_right_arithmetic3A_19, %and3A_21], %mul3A_26 : memref<200x128xi32, #tpu.memory_space<vmem>>[vector<16xi32>, vector<16xi32>], vector<16xi32>,
      %mul3A_27 = arith.constant 200 : i32
      %mul3A_28 = arith.muli %scan3A_11, %mul3A_27 : i32
      %add3A_29 = arith.constant 16 : i32
      %add3A_30 = arith.addi %mul3A_28, %add3A_29 : i32
      %add3A_31 = vector.broadcast %add3A_30 : i32 to vector<16xi32>
      %add3A_32 = arith.addi %add3A_31, %iota3A : vector<16xi32>
      %shift_right_arithmetic3A_33 = arith.constant 7 : i32
      %shift_right_arithmetic3A_34 = vector.broadcast %shift_right_arithmetic3A_33 : i32 to vector<16xi32>
      %shift_right_arithmetic3A_35 = arith.shrsi %add3A_32, %shift_right_arithmetic3A_34 : vector<16xi32>
      %and3A_36 = arith.constant 127 : i32
      %and3A_37 = vector.broadcast %and3A_36 : i32 to vector<16xi32>
      %and3A_38 = arith.andi %add3A_32, %and3A_37 : vector<16xi32>
      %get3A_39 = arith.index_cast %scan3A_11 : i32 to index
      %get3A_40 = arith.constant 16 : index
      %get3A_41 = tpu.vector_load %arg4[%get3A_39, %get3A_40] {strides = array<i32>} : memref<128x200xi32, #tpu.memory_space<vmem>>, vector<16xi32>,
      %mul3A_42 = arith.constant 2 : i32
      %mul3A_43 = vector.broadcast %mul3A_42 : i32 to vector<16xi32>
      %mul3A_44 = arith.muli %get3A_41, %mul3A_43 : vector<16xi32>
      tpu.vector_store_idx %arg5[%shift_right_arithmetic3A_35, %and3A_38], %mul3A_44 : memref<200x128xi32, #tpu.memory_space<vmem>>[vector<16xi32>, vector<16xi32>], vector<16xi32>,
      %mul3A_45 = arith.constant 200 : i32
      %mul3A_46 = arith.muli %scan3A_11, %mul3A_45 : i32
      %add3A_47 = arith.constant 32 : i32
      %add3A_48 = arith.addi %mul3A_46, %add3A_47 : i32
      %add3A_49 = vector.broadcast %add3A_48 : i32 to vector<16xi32>
      %add3A_50 = arith.addi %add3A_49, %iota3A : vector<16xi32>
      %shift_right_arithmetic3A_51 = arith.constant 7 : i32
      %shift_right_arithmetic3A_52 = vector.broadcast %shift_right_arithmetic3A_51 : i32 to vector<16xi32>
      %shift_right_arithmetic3A_53 = arith.shrsi %add3A_50, %shift_right_arithmetic3A_52 : vector<16xi32>
      %and3A_54 = arith.constant 127 : i32
      %and3A_55 = vector.broadcast %and3A_54 : i32 to vector<16xi32>
      %and3A_56 = arith.andi %add3A_50, %and3A_55 : vector<16xi32>
      %get3A_57 = arith.index_cast %scan3A_11 : i32 to index
      %get3A_58 = arith.constant 32 : index
      %get3A_59 = tpu.vector_load %arg4[%get3A_57, %get3A_58] {strides = array<i32>} : memref<128x200xi32, #tpu.memory_space<vmem>>, vector<16xi32>,
      %mul3A_60 = arith.constant 2 : i32
      %mul3A_61 = vector.broadcast %mul3A_60 : i32 to vector<16xi32>
      %mul3A_62 = arith.muli %get3A_59, %mul3A_61 : vector<16xi32>
      tpu.vector_store_idx %arg5[%shift_right_arithmetic3A_53, %and3A_56], %mul3A_62 : memref<200x128xi32, #tpu.memory_space<vmem>>[vector<16xi32>, vector<16xi32>], vector<16xi32>,
      %mul3A_63 = arith.constant 200 : i32
      %mul3A_64 = arith.muli %scan3A_11, %mul3A_63 : i32
      %add3A_65 = arith.constant 48 : i32
      %add3A_66 = arith.addi %mul3A_64, %add3A_65 : i32
      %add3A_67 = vector.broadcast %add3A_66 : i32 to vector<16xi32>
      %add3A_68 = arith.addi %add3A_67, %iota3A : vector<16xi32>
      %shift_right_arithmetic3A_69 = arith.constant 7 : i32
      %shift_right_arithmetic3A_70 = vector.broadcast %shift_right_arithmetic3A_69 : i32 to vector<16xi32>
      %shift_right_arithmetic3A_71 = arith.shrsi %add3A_68, %shift_right_arithmetic3A_70 : vector<16xi32>
      %and3A_72 = arith.constant 127 : i32
      %and3A_73 = vector.broadcast %and3A_72 : i32 to vector<16xi32>
      %and3A_74 = arith.andi %add3A_68, %and3A_73 : vector<16xi32>
      %get3A_75 = arith.index_cast %scan3A_11 : i32 to index
      %get3A_76 = arith.constant 48 : index
      %get3A_77 = tpu.vector_load %arg4[%get3A_75, %get3A_76] {strides = array<i32>} : memref<128x200xi32, #tpu.memory_space<vmem>>, vector<16xi32>,
      %mul3A_78 = arith.constant 2 : i32
      %mul3A_79 = vector.broadcast %mul3A_78 : i32 to vector<16xi32>
      %mul3A_80 = arith.muli %get3A_77, %mul3A_79 : vector<16xi32>
      tpu.vector_store_idx %arg5[%shift_right_arithmetic3A_71, %and3A_74], %mul3A_80 : memref<200x128xi32, #tpu.memory_space<vmem>>[vector<16xi32>, vector<16xi32>], vector<16xi32>,
      %mul3A_81 = arith.constant 200 : i32
      %mul3A_82 = arith.muli %scan3A_11, %mul3A_81 : i32
      %add3A_83 = arith.constant 64 : i32
      %add3A_84 = arith.addi %mul3A_82, %add3A_83 : i32
      %add3A_85 = vector.broadcast %add3A_84 : i32 to vector<16xi32>
      %add3A_86 = arith.addi %add3A_85, %iota3A : vector<16xi32>
      %shift_right_arithmetic3A_87 = arith.constant 7 : i32
      %shift_right_arithmetic3A_88 = vector.broadcast %shift_right_arithmetic3A_87 : i32 to vector<16xi32>
      %shift_right_arithmetic3A_89 = arith.shrsi %add3A_86, %shift_right_arithmetic3A_88 : vector<16xi32>
      %and3A_90 = arith.constant 127 : i32
      %and3A_91 = vector.broadcast %and3A_90 : i32 to vector<16xi32>
      %and3A_92 = arith.andi %add3A_86, %and3A_91 : vector<16xi32>
      %get3A_93 = arith.index_cast %scan3A_11 : i32 to index
      %get3A_94 = arith.constant 64 : index
      %get3A_95 = tpu.vector_load %arg4[%get3A_93, %get3A_94] {strides = array<i32>} : memref<128x200xi32, #tpu.memory_space<vmem>>, vector<16xi32>,
      %mul3A_96 = arith.constant 2 : i32
      %mul3A_97 = vector.broadcast %mul3A_96 : i32 to vector<16xi32>
      %mul3A_98 = arith.muli %get3A_95, %mul3A_97 : vector<16xi32>
      tpu.vector_store_idx %arg5[%shift_right_arithmetic3A_89, %and3A_92], %mul3A_98 : memref<200x128xi32, #tpu.memory_space<vmem>>[vector<16xi32>, vector<16xi32>], vector<16xi32>,
      %mul3A_99 = arith.constant 200 : i32
      %mul3A_100 = arith.muli %scan3A_11, %mul3A_99 : i32
      %add3A_101 = arith.constant 80 : i32
      %add3A_102 = arith.addi %mul3A_100, %add3A_101 : i32
      %add3A_103 = vector.broadcast %add3A_102 : i32 to vector<16xi32>
      %add3A_104 = arith.addi %add3A_103, %iota3A : vector<16xi32>
      %shift_right_arithmetic3A_105 = arith.constant 7 : i32
      %shift_right_arithmetic3A_106 = vector.broadcast %shift_right_arithmetic3A_105 : i32 to vector<16xi32>
      %shift_right_arithmetic3A_107 = arith.shrsi %add3A_104, %shift_right_arithmetic3A_106 : vector<16xi32>
      %and3A_108 = arith.constant 127 : i32
      %and3A_109 = vector.broadcast %and3A_108 : i32 to vector<16xi32>
      %and3A_110 = arith.andi %add3A_104, %and3A_109 : vector<16xi32>
      %get3A_111 = arith.index_cast %scan3A_11 : i32 to index
      %get3A_112 = arith.constant 80 : index
      %get3A_113 = tpu.vector_load %arg4[%get3A_111, %get3A_112] {strides = array<i32>} : memref<128x200xi32, #tpu.memory_space<vmem>>, vector<16xi32>,
      %mul3A_114 = arith.constant 2 : i32
      %mul3A_115 = vector.broadcast %mul3A_114 : i32 to vector<16xi32>
      %mul3A_116 = arith.muli %get3A_113, %mul3A_115 : vector<16xi32>
      tpu.vector_store_idx %arg5[%shift_right_arithmetic3A_107, %and3A_110], %mul3A_116 : memref<200x128xi32, #tpu.memory_space<vmem>>[vector<16xi32>, vector<16xi32>], vector<16xi32>,
      %mul3A_117 = arith.constant 200 : i32
      %mul3A_118 = arith.muli %scan3A_11, %mul3A_117 : i32
      %add3A_119 = arith.constant 96 : i32
      %add3A_120 = arith.addi %mul3A_118, %add3A_119 : i32
      %add3A_121 = vector.broadcast %add3A_120 : i32 to vector<16xi32>
      %add3A_122 = arith.addi %add3A_121, %iota3A : vector<16xi32>
      %shift_right_arithmetic3A_123 = arith.constant 7 : i32
      %shift_right_arithmetic3A_124 = vector.broadcast %shift_right_arithmetic3A_123 : i32 to vector<16xi32>
      %shift_right_arithmetic3A_125 = arith.shrsi %add3A_122, %shift_right_arithmetic3A_124 : vector<16xi32>
      %and3A_126 = arith.constant 127 : i32
      %and3A_127 = vector.broadcast %and3A_126 : i32 to vector<16xi32>
      %and3A_128 = arith.andi %add3A_122, %and3A_127 : vector<16xi32>
      %get3A_129 = arith.index_cast %scan3A_11 : i32 to index
      %get3A_130 = arith.constant 96 : index
      %get3A_131 = tpu.vector_load %arg4[%get3A_129, %get3A_130] {strides = array<i32>} : memref<128x200xi32, #tpu.memory_space<vmem>>, vector<16xi32>,
      %mul3A_132 = arith.constant 2 : i32
      %mul3A_133 = vector.broadcast %mul3A_132 : i32 to vector<16xi32>
      %mul3A_134 = arith.muli %get3A_131, %mul3A_133 : vector<16xi32>
      tpu.vector_store_idx %arg5[%shift_right_arithmetic3A_125, %and3A_128], %mul3A_134 : memref<200x128xi32, #tpu.memory_space<vmem>>[vector<16xi32>, vector<16xi32>], vector<16xi32>,
      %mul3A_135 = arith.constant 200 : i32
      %mul3A_136 = arith.muli %scan3A_11, %mul3A_135 : i32
      %add3A_137 = arith.constant 112 : i32
      %add3A_138 = arith.addi %mul3A_136, %add3A_137 : i32
      %add3A_139 = vector.broadcast %add3A_138 : i32 to vector<16xi32>
      %add3A_140 = arith.addi %add3A_139, %iota3A : vector<16xi32>
      %shift_right_arithmetic3A_141 = arith.constant 7 : i32
      %shift_right_arithmetic3A_142 = vector.broadcast %shift_right_arithmetic3A_141 : i32 to vector<16xi32>
      %shift_right_arithmetic3A_143 = arith.shrsi %add3A_140, %shift_right_arithmetic3A_142 : vector<16xi32>
      %and3A_144 = arith.constant 127 : i32
      %and3A_145 = vector.broadcast %and3A_144 : i32 to vector<16xi32>
      %and3A_146 = arith.andi %add3A_140, %and3A_145 : vector<16xi32>
      %get3A_147 = arith.index_cast %scan3A_11 : i32 to index
      %get3A_148 = arith.constant 112 : index
      %get3A_149 = tpu.vector_load %arg4[%get3A_147, %get3A_148] {strides = array<i32>} : memref<128x200xi32, #tpu.memory_space<vmem>>, vector<16xi32>,
      %mul3A_150 = arith.constant 2 : i32
      %mul3A_151 = vector.broadcast %mul3A_150 : i32 to vector<16xi32>
      %mul3A_152 = arith.muli %get3A_149, %mul3A_151 : vector<16xi32>
      tpu.vector_store_idx %arg5[%shift_right_arithmetic3A_143, %and3A_146], %mul3A_152 : memref<200x128xi32, #tpu.memory_space<vmem>>[vector<16xi32>, vector<16xi32>], vector<16xi32>,
      %mul3A_153 = arith.constant 200 : i32
      %mul3A_154 = arith.muli %scan3A_11, %mul3A_153 : i32
      %add3A_155 = arith.constant 128 : i32
      %add3A_156 = arith.addi %mul3A_154, %add3A_155 : i32
      %add3A_157 = vector.broadcast %add3A_156 : i32 to vector<16xi32>
      %add3A_158 = arith.addi %add3A_157, %iota3A : vector<16xi32>
      %shift_right_arithmetic3A_159 = arith.constant 7 : i32
      %shift_right_arithmetic3A_160 = vector.broadcast %shift_right_arithmetic3A_159 : i32 to vector<16xi32>
      %shift_right_arithmetic3A_161 = arith.shrsi %add3A_158, %shift_right_arithmetic3A_160 : vector<16xi32>
      %and3A_162 = arith.constant 127 : i32
      %and3A_163 = vector.broadcast %and3A_162 : i32 to vector<16xi32>
      %and3A_164 = arith.andi %add3A_158, %and3A_163 : vector<16xi32>
      %get3A_165 = arith.index_cast %scan3A_11 : i32 to index
      %get3A_166 = arith.constant 128 : index
      %get3A_167 = tpu.vector_load %arg4[%get3A_165, %get3A_166] {strides = array<i32>} : memref<128x200xi32, #tpu.memory_space<vmem>>, vector<16xi32>,
      %mul3A_168 = arith.constant 2 : i32
      %mul3A_169 = vector.broadcast %mul3A_168 : i32 to vector<16xi32>
      %mul3A_170 = arith.muli %get3A_167, %mul3A_169 : vector<16xi32>
      tpu.vector_store_idx %arg5[%shift_right_arithmetic3A_161, %and3A_164], %mul3A_170 : memref<200x128xi32, #tpu.memory_space<vmem>>[vector<16xi32>, vector<16xi32>], vector<16xi32>,
      %mul3A_171 = arith.constant 200 : i32
      %mul3A_172 = arith.muli %scan3A_11, %mul3A_171 : i32
      %add3A_173 = arith.constant 144 : i32
      %add3A_174 = arith.addi %mul3A_172, %add3A_173 : i32
      %add3A_175 = vector.broadcast %add3A_174 : i32 to vector<16xi32>
      %add3A_176 = arith.addi %add3A_175, %iota3A : vector<16xi32>
      %shift_right_arithmetic3A_177 = arith.constant 7 : i32
      %shift_right_arithmetic3A_178 = vector.broadcast %shift_right_arithmetic3A_177 : i32 to vector<16xi32>
      %shift_right_arithmetic3A_179 = arith.shrsi %add3A_176, %shift_right_arithmetic3A_178 : vector<16xi32>
      %and3A_180 = arith.constant 127 : i32
      %and3A_181 = vector.broadcast %and3A_180 : i32 to vector<16xi32>
      %and3A_182 = arith.andi %add3A_176, %and3A_181 : vector<16xi32>
      %get3A_183 = arith.index_cast %scan3A_11 : i32 to index
      %get3A_184 = arith.constant 144 : index
      %get3A_185 = tpu.vector_load %arg4[%get3A_183, %get3A_184] {strides = array<i32>} : memref<128x200xi32, #tpu.memory_space<vmem>>, vector<16xi32>,
      %mul3A_186 = arith.constant 2 : i32
      %mul3A_187 = vector.broadcast %mul3A_186 : i32 to vector<16xi32>
      %mul3A_188 = arith.muli %get3A_185, %mul3A_187 : vector<16xi32>
      tpu.vector_store_idx %arg5[%shift_right_arithmetic3A_179, %and3A_182], %mul3A_188 : memref<200x128xi32, #tpu.memory_space<vmem>>[vector<16xi32>, vector<16xi32>], vector<16xi32>,
      %mul3A_189 = arith.constant 200 : i32
      %mul3A_190 = arith.muli %scan3A_11, %mul3A_189 : i32
      %add3A_191 = arith.constant 160 : i32
      %add3A_192 = arith.addi %mul3A_190, %add3A_191 : i32
      %add3A_193 = vector.broadcast %add3A_192 : i32 to vector<16xi32>
      %add3A_194 = arith.addi %add3A_193, %iota3A : vector<16xi32>
      %shift_right_arithmetic3A_195 = arith.constant 7 : i32
      %shift_right_arithmetic3A_196 = vector.broadcast %shift_right_arithmetic3A_195 : i32 to vector<16xi32>
      %shift_right_arithmetic3A_197 = arith.shrsi %add3A_194, %shift_right_arithmetic3A_196 : vector<16xi32>
      %and3A_198 = arith.constant 127 : i32
      %and3A_199 = vector.broadcast %and3A_198 : i32 to vector<16xi32>
      %and3A_200 = arith.andi %add3A_194, %and3A_199 : vector<16xi32>
      %get3A_201 = arith.index_cast %scan3A_11 : i32 to index
      %get3A_202 = arith.constant 160 : index
      %get3A_203 = tpu.vector_load %arg4[%get3A_201, %get3A_202] {strides = array<i32>} : memref<128x200xi32, #tpu.memory_space<vmem>>, vector<16xi32>,
      %mul3A_204 = arith.constant 2 : i32
      %mul3A_205 = vector.broadcast %mul3A_204 : i32 to vector<16xi32>
      %mul3A_206 = arith.muli %get3A_203, %mul3A_205 : vector<16xi32>
      tpu.vector_store_idx %arg5[%shift_right_arithmetic3A_197, %and3A_200], %mul3A_206 : memref<200x128xi32, #tpu.memory_space<vmem>>[vector<16xi32>, vector<16xi32>], vector<16xi32>,
      %mul3A_207 = arith.constant 200 : i32
      %mul3A_208 = arith.muli %scan3A_11, %mul3A_207 : i32
      %add3A_209 = arith.constant 176 : i32
      %add3A_210 = arith.addi %mul3A_208, %add3A_209 : i32
      %add3A_211 = vector.broadcast %add3A_210 : i32 to vector<16xi32>
      %add3A_212 = arith.addi %add3A_211, %iota3A : vector<16xi32>
      %shift_right_arithmetic3A_213 = arith.constant 7 : i32
      %shift_right_arithmetic3A_214 = vector.broadcast %shift_right_arithmetic3A_213 : i32 to vector<16xi32>
      %shift_right_arithmetic3A_215 = arith.shrsi %add3A_212, %shift_right_arithmetic3A_214 : vector<16xi32>
      %and3A_216 = arith.constant 127 : i32
      %and3A_217 = vector.broadcast %and3A_216 : i32 to vector<16xi32>
      %and3A_218 = arith.andi %add3A_212, %and3A_217 : vector<16xi32>
      %get3A_219 = arith.index_cast %scan3A_11 : i32 to index
      %get3A_220 = arith.constant 176 : index
      %get3A_221 = tpu.vector_load %arg4[%get3A_219, %get3A_220] {strides = array<i32>} : memref<128x200xi32, #tpu.memory_space<vmem>>, vector<16xi32>,
      %mul3A_222 = arith.constant 2 : i32
      %mul3A_223 = vector.broadcast %mul3A_222 : i32 to vector<16xi32>
      %mul3A_224 = arith.muli %get3A_221, %mul3A_223 : vector<16xi32>
      tpu.vector_store_idx %arg5[%shift_right_arithmetic3A_215, %and3A_218], %mul3A_224 : memref<200x128xi32, #tpu.memory_space<vmem>>[vector<16xi32>, vector<16xi32>], vector<16xi32>,
      %mul3A_225 = arith.constant 200 : i32
      %mul3A_226 = arith.muli %scan3A_11, %mul3A_225 : i32
      %add3A_227 = arith.constant 184 : i32
      %add3A_228 = arith.addi %mul3A_226, %add3A_227 : i32
      %add3A_229 = vector.broadcast %add3A_228 : i32 to vector<16xi32>
      %add3A_230 = arith.addi %add3A_229, %iota3A : vector<16xi32>
      %shift_right_arithmetic3A_231 = arith.constant 7 : i32
      %shift_right_arithmetic3A_232 = vector.broadcast %shift_right_arithmetic3A_231 : i32 to vector<16xi32>
      %shift_right_arithmetic3A_233 = arith.shrsi %add3A_230, %shift_right_arithmetic3A_232 : vector<16xi32>
      %and3A_234 = arith.constant 127 : i32
      %and3A_235 = vector.broadcast %and3A_234 : i32 to vector<16xi32>
      %and3A_236 = arith.andi %add3A_230, %and3A_235 : vector<16xi32>
      %get3A_237 = arith.index_cast %scan3A_11 : i32 to index
      %get3A_238 = arith.constant 184 : index
      %get3A_239 = tpu.vector_load %arg4[%get3A_237, %get3A_238] {strides = array<i32>} : memref<128x200xi32, #tpu.memory_space<vmem>>, vector<16xi32>,
      %mul3A_240 = arith.constant 2 : i32
      %mul3A_241 = vector.broadcast %mul3A_240 : i32 to vector<16xi32>
      %mul3A_242 = arith.muli %get3A_239, %mul3A_241 : vector<16xi32>
      tpu.vector_store_idx %arg5[%shift_right_arithmetic3A_233, %and3A_236], %mul3A_242 : memref<200x128xi32, #tpu.memory_space<vmem>>[vector<16xi32>, vector<16xi32>], vector<16xi32>,
    }
    %scan3A_10 = arith.constant 128 : i32
    "tpu.region"() ({
      %run_scoped3A = tpu.sem_alloc : memref<!tpu.dma_semaphore, #tpu.memory_space<semaphore_mem>>
      %dma_start3A = arith.constant 0 : i32
      %dma_start3A_11 = tpu.memref_slice %arg3[%multiple_of3A_5, %dma_start3A] : memref<6400x128xi32, #tpu.memory_space<hbm>> -> memref<200x128xi32, #tpu.memory_space<hbm>>
      %dma_start3A_12 = arith.constant 0 : i32
      %dma_start3A_13 = tpu.memref_slice %arg3[%multiple_of3A_5, %dma_start3A_12] : memref<6400x128xi32, #tpu.memory_space<hbm>> -> memref<200x128xi32, #tpu.memory_space<hbm>>
      tpu.enqueue_dma source(%arg5 : memref<200x128xi32, #tpu.memory_space<vmem>>) target(%dma_start3A_13 : memref<200x128xi32, #tpu.memory_space<hbm>>) target_semaphore(%run_scoped3A : memref<!tpu.dma_semaphore, #tpu.memory_space<semaphore_mem>>)
      %dma_wait3A = arith.constant 0 : i32
      %dma_wait3A_14 = tpu.memref_slice %arg3[%multiple_of3A_5, %dma_wait3A] : memref<6400x128xi32, #tpu.memory_space<hbm>> -> memref<200x128xi32, #tpu.memory_space<hbm>>
      %dma_wait3A_15 = arith.constant 0 : i32
      %dma_wait3A_16 = tpu.memref_slice %arg3[%multiple_of3A_5, %dma_wait3A_15] : memref<6400x128xi32, #tpu.memory_space<hbm>> -> memref<200x128xi32, #tpu.memory_space<hbm>>
      tpu.wait_dma2 semaphore(%run_scoped3A : memref<!tpu.dma_semaphore, #tpu.memory_space<semaphore_mem>>) src(%arg5 : memref<200x128xi32, #tpu.memory_space<vmem>>) dst(%dma_wait3A_16 : memref<200x128xi32, #tpu.memory_space<hbm>>)
      tpu.yield
    }) : () -> ()
    return
  }
}

#map = affine_map<(d0, d1) -> (0, 0)>
#map1 = affine_map<(d0, d1) -> (0, 0, 0)>
module attributes {stable_mosaic.version = 14 : i64} {
  func.func @gather_kernel(%arg0: i32, %arg1: i32, %arg2: memref<2015232x64xf32, #tpu.memory_space<hbm>>, %arg3: memref<1600x128xi32, #tpu.memory_space<hbm>>, %arg4: memref<1600x128x128xf32, #tpu.memory_space<hbm>>, %arg5: memref<2x128xi32, #tpu.memory_space<vmem>>, %arg6: memref<2x128x64xf32, #tpu.memory_space<vmem>>, %arg7: memref<!tpu.dma_semaphore, #tpu.memory_space<semaphore_mem>>) attributes {dimension_semantics = [#tpu.dimension_semantics<core_parallel>, #tpu.dimension_semantics<subcore_parallel>], iteration_bounds = array<i64: 2, 16>, scalar_prefetch = 0 : i64, scratch_operands = 3 : i64, tpu.core_type = #tpu.core_type<sc_vector_subcore>, window_params = [{transform_indices = #map}, {transform_indices = #map}, {transform_indices = #map1}]} {
    %mul3A = arith.constant 2 : i32
    %mul3A_0 = arith.muli %arg1, %mul3A : i32
    %add3A = arith.addi %mul3A_0, %arg0 : i32
    %mul3A_1 = arith.constant 50 : i32
    %mul3A_2 = arith.muli %add3A, %mul3A_1 : i32
    %scan3A = arith.constant 0 : i32
    %scan3A_3 = arith.constant 0 : i32
    %scan3A_4 = arith.constant 25 : i32
    %scan3A_5 = arith.addi %scan3A_3, %scan3A_4 : i32
    %scan3A_6 = arith.constant 1 : i32
    scf.for %scan3A_8 = %scan3A_3 to %scan3A_5 step %scan3A_6  : i32 {
      %mul3A_9 = arith.constant 2 : i32
      %mul3A_10 = arith.muli %scan3A_8, %mul3A_9 : i32
      %add3A_11 = arith.addi %mul3A_2, %mul3A_10 : i32
      "tpu.region"() ({
        %run_scoped3A = tpu.sem_alloc : memref<!tpu.dma_semaphore, #tpu.memory_space<semaphore_mem>>
        %dma_start3A_58 = arith.constant 0 : i32
        %dma_start3A_59 = tpu.memref_slice %arg3[%add3A_11, %dma_start3A_58] : memref<1600x128xi32, #tpu.memory_space<hbm>> -> memref<2x128xi32, #tpu.memory_space<hbm>>
        %dma_start3A_60 = arith.constant 0 : i32
        %dma_start3A_61 = tpu.memref_slice %arg3[%add3A_11, %dma_start3A_60] : memref<1600x128xi32, #tpu.memory_space<hbm>> -> memref<2x128xi32, #tpu.memory_space<hbm>>
        tpu.enqueue_dma source(%dma_start3A_61 : memref<2x128xi32, #tpu.memory_space<hbm>>) target(%arg5 : memref<2x128xi32, #tpu.memory_space<vmem>>) target_semaphore(%run_scoped3A : memref<!tpu.dma_semaphore, #tpu.memory_space<semaphore_mem>>)
        %dma_wait3A_62 = arith.constant 0 : i32
        %dma_wait3A_63 = tpu.memref_slice %arg3[%add3A_11, %dma_wait3A_62] : memref<1600x128xi32, #tpu.memory_space<hbm>> -> memref<2x128xi32, #tpu.memory_space<hbm>>
        %dma_wait3A_64 = arith.constant 0 : i32
        %dma_wait3A_65 = tpu.memref_slice %arg3[%add3A_11, %dma_wait3A_64] : memref<1600x128xi32, #tpu.memory_space<hbm>> -> memref<2x128xi32, #tpu.memory_space<hbm>>
        tpu.wait_dma2 semaphore(%run_scoped3A : memref<!tpu.dma_semaphore, #tpu.memory_space<semaphore_mem>>) src(%dma_wait3A_65 : memref<2x128xi32, #tpu.memory_space<hbm>>) dst(%arg5 : memref<2x128xi32, #tpu.memory_space<vmem>>)
        tpu.yield
      }) : () -> ()
      %dma_start3A = arith.constant 0 : i32
      %dma_start3A_12 = arith.constant 0 : i32
      %dma_start3A_13 = arith.constant 0 : i32
      %dma_start3A_14 = arith.constant 0 : i32
      %dma_start3A_15 = tpu.memref_slice %arg6[%dma_start3A_12, %dma_start3A_13, %dma_start3A_14] : memref<2x128x64xf32, #tpu.memory_space<vmem>> -> memref<1x128x64xf32, #tpu.memory_space<vmem>>
      %dma_start3A_16 = tpu.memref_squeeze %dma_start3A_15 : memref<1x128x64xf32, #tpu.memory_space<vmem>> -> memref<128x64xf32, #tpu.memory_space<vmem>>
      %dma_start3A_17 = arith.constant 0 : i32
      %dma_start3A_18 = tpu.memref_slice %arg5[%dma_start3A, %dma_start3A_17] : memref<2x128xi32, #tpu.memory_space<vmem>> -> memref<1x128xi32, #tpu.memory_space<vmem>>
      %dma_start3A_19 = tpu.memref_squeeze %dma_start3A_18 : memref<1x128xi32, #tpu.memory_space<vmem>> -> memref<128xi32, #tpu.memory_space<vmem>>
      %dma_start3A_20 = arith.constant 0 : i32
      %dma_start3A_21 = arith.constant 0 : i32
      %dma_start3A_22 = tpu.memref_slice %arg2[%dma_start3A_20, %dma_start3A_21] : memref<2015232x64xf32, #tpu.memory_space<hbm>> -> memref<2015232x64xf32, #tpu.memory_space<hbm>>
      tpu.enqueue_indirect_dma source(%dma_start3A_22 : memref<2015232x64xf32, #tpu.memory_space<hbm>>) target(%dma_start3A_16 : memref<128x64xf32, #tpu.memory_space<vmem>>) offsets(%dma_start3A_19 : memref<128xi32, #tpu.memory_space<vmem>>) semaphore(%arg7 : memref<!tpu.dma_semaphore, #tpu.memory_space<semaphore_mem>>)
      %dma_start3A_23 = arith.constant 1 : i32
      %dma_start3A_24 = arith.constant 1 : i32
      %dma_start3A_25 = arith.constant 0 : i32
      %dma_start3A_26 = arith.constant 0 : i32
      %dma_start3A_27 = tpu.memref_slice %arg6[%dma_start3A_24, %dma_start3A_25, %dma_start3A_26] : memref<2x128x64xf32, #tpu.memory_space<vmem>> -> memref<1x128x64xf32, #tpu.memory_space<vmem>>
      %dma_start3A_28 = tpu.memref_squeeze %dma_start3A_27 : memref<1x128x64xf32, #tpu.memory_space<vmem>> -> memref<128x64xf32, #tpu.memory_space<vmem>>
      %dma_start3A_29 = arith.constant 0 : i32
      %dma_start3A_30 = tpu.memref_slice %arg5[%dma_start3A_23, %dma_start3A_29] : memref<2x128xi32, #tpu.memory_space<vmem>> -> memref<1x128xi32, #tpu.memory_space<vmem>>
      %dma_start3A_31 = tpu.memref_squeeze %dma_start3A_30 : memref<1x128xi32, #tpu.memory_space<vmem>> -> memref<128xi32, #tpu.memory_space<vmem>>
      %dma_start3A_32 = arith.constant 0 : i32
      %dma_start3A_33 = arith.constant 0 : i32
      %dma_start3A_34 = tpu.memref_slice %arg2[%dma_start3A_32, %dma_start3A_33] : memref<2015232x64xf32, #tpu.memory_space<hbm>> -> memref<2015232x64xf32, #tpu.memory_space<hbm>>
      tpu.enqueue_indirect_dma source(%dma_start3A_34 : memref<2015232x64xf32, #tpu.memory_space<hbm>>) target(%dma_start3A_28 : memref<128x64xf32, #tpu.memory_space<vmem>>) offsets(%dma_start3A_31 : memref<128xi32, #tpu.memory_space<vmem>>) semaphore(%arg7 : memref<!tpu.dma_semaphore, #tpu.memory_space<semaphore_mem>>)
      %dma_wait3A = arith.constant 0 : i32
      %dma_wait3A_35 = arith.constant 0 : i32
      %dma_wait3A_36 = arith.constant 0 : i32
      %dma_wait3A_37 = arith.constant 0 : i32
      %dma_wait3A_38 = tpu.memref_slice %arg6[%dma_wait3A_35, %dma_wait3A_36, %dma_wait3A_37] : memref<2x128x64xf32, #tpu.memory_space<vmem>> -> memref<1x128x64xf32, #tpu.memory_space<vmem>>
      %dma_wait3A_39 = tpu.memref_squeeze %dma_wait3A_38 : memref<1x128x64xf32, #tpu.memory_space<vmem>> -> memref<128x64xf32, #tpu.memory_space<vmem>>
      %dma_wait3A_40 = arith.constant 0 : i32
      %dma_wait3A_41 = tpu.memref_slice %arg5[%dma_wait3A, %dma_wait3A_40] : memref<2x128xi32, #tpu.memory_space<vmem>> -> memref<1x128xi32, #tpu.memory_space<vmem>>
      %dma_wait3A_42 = tpu.memref_squeeze %dma_wait3A_41 : memref<1x128xi32, #tpu.memory_space<vmem>> -> memref<128xi32, #tpu.memory_space<vmem>>
      %dma_wait3A_43 = arith.constant 0 : i32
      %dma_wait3A_44 = arith.constant 0 : i32
      %dma_wait3A_45 = tpu.memref_slice %arg2[%dma_wait3A_43, %dma_wait3A_44] : memref<2015232x64xf32, #tpu.memory_space<hbm>> -> memref<2015232x64xf32, #tpu.memory_space<hbm>>
      tpu.wait_indirect_dma semaphore(%arg7 : memref<!tpu.dma_semaphore, #tpu.memory_space<semaphore_mem>>) src(%dma_wait3A_45 : memref<2015232x64xf32, #tpu.memory_space<hbm>>) dst(%dma_wait3A_39 : memref<128x64xf32, #tpu.memory_space<vmem>>)
      %dma_wait3A_46 = arith.constant 1 : i32
      %dma_wait3A_47 = arith.constant 1 : i32
      %dma_wait3A_48 = arith.constant 0 : i32
      %dma_wait3A_49 = arith.constant 0 : i32
      %dma_wait3A_50 = tpu.memref_slice %arg6[%dma_wait3A_47, %dma_wait3A_48, %dma_wait3A_49] : memref<2x128x64xf32, #tpu.memory_space<vmem>> -> memref<1x128x64xf32, #tpu.memory_space<vmem>>
      %dma_wait3A_51 = tpu.memref_squeeze %dma_wait3A_50 : memref<1x128x64xf32, #tpu.memory_space<vmem>> -> memref<128x64xf32, #tpu.memory_space<vmem>>
      %dma_wait3A_52 = arith.constant 0 : i32
      %dma_wait3A_53 = tpu.memref_slice %arg5[%dma_wait3A_46, %dma_wait3A_52] : memref<2x128xi32, #tpu.memory_space<vmem>> -> memref<1x128xi32, #tpu.memory_space<vmem>>
      %dma_wait3A_54 = tpu.memref_squeeze %dma_wait3A_53 : memref<1x128xi32, #tpu.memory_space<vmem>> -> memref<128xi32, #tpu.memory_space<vmem>>
      %dma_wait3A_55 = arith.constant 0 : i32
      %dma_wait3A_56 = arith.constant 0 : i32
      %dma_wait3A_57 = tpu.memref_slice %arg2[%dma_wait3A_55, %dma_wait3A_56] : memref<2015232x64xf32, #tpu.memory_space<hbm>> -> memref<2015232x64xf32, #tpu.memory_space<hbm>>
      tpu.wait_indirect_dma semaphore(%arg7 : memref<!tpu.dma_semaphore, #tpu.memory_space<semaphore_mem>>) src(%dma_wait3A_57 : memref<2015232x64xf32, #tpu.memory_space<hbm>>) dst(%dma_wait3A_51 : memref<128x64xf32, #tpu.memory_space<vmem>>)
      "tpu.region"() ({
        %run_scoped3A = tpu.sem_alloc : memref<!tpu.dma_semaphore, #tpu.memory_space<semaphore_mem>>
        %dma_start3A_58 = arith.constant 0 : i32
        %dma_start3A_59 = arith.constant 0 : i32
        %dma_start3A_60 = tpu.memref_slice %arg4[%add3A_11, %dma_start3A_58, %dma_start3A_59] : memref<1600x128x128xf32, #tpu.memory_space<hbm>> -> memref<2x128x64xf32, #tpu.memory_space<hbm>>
        %dma_start3A_61 = arith.constant 0 : i32
        %dma_start3A_62 = arith.constant 0 : i32
        %dma_start3A_63 = tpu.memref_slice %arg4[%add3A_11, %dma_start3A_61, %dma_start3A_62] : memref<1600x128x128xf32, #tpu.memory_space<hbm>> -> memref<2x128x64xf32, #tpu.memory_space<hbm>>
        tpu.enqueue_dma source(%arg6 : memref<2x128x64xf32, #tpu.memory_space<vmem>>) target(%dma_start3A_63 : memref<2x128x64xf32, #tpu.memory_space<hbm>>) target_semaphore(%run_scoped3A : memref<!tpu.dma_semaphore, #tpu.memory_space<semaphore_mem>>)
        %dma_wait3A_64 = arith.constant 0 : i32
        %dma_wait3A_65 = arith.constant 0 : i32
        %dma_wait3A_66 = tpu.memref_slice %arg4[%add3A_11, %dma_wait3A_64, %dma_wait3A_65] : memref<1600x128x128xf32, #tpu.memory_space<hbm>> -> memref<2x128x64xf32, #tpu.memory_space<hbm>>
        %dma_wait3A_67 = arith.constant 0 : i32
        %dma_wait3A_68 = arith.constant 0 : i32
        %dma_wait3A_69 = tpu.memref_slice %arg4[%add3A_11, %dma_wait3A_67, %dma_wait3A_68] : memref<1600x128x128xf32, #tpu.memory_space<hbm>> -> memref<2x128x64xf32, #tpu.memory_space<hbm>>
        tpu.wait_dma2 semaphore(%run_scoped3A : memref<!tpu.dma_semaphore, #tpu.memory_space<semaphore_mem>>) src(%arg6 : memref<2x128x64xf32, #tpu.memory_space<vmem>>) dst(%dma_wait3A_69 : memref<2x128x64xf32, #tpu.memory_space<hbm>>)
        tpu.yield
      }) : () -> ()
    }
    %scan3A_7 = arith.constant 25 : i32
    return
  }
}

module attributes {stable_mosaic.version = 14 : i64} {
  func.func @_padT_body(%arg0: i32, %arg1: memref<64x8192xf32, #tpu.memory_space<vmem>>, %arg2: memref<64x128xf32, #tpu.memory_space<vmem>>, %arg3: memref<8192x128xf32, #tpu.memory_space<vmem>>) attributes {dimension_semantics = [#tpu.dimension_semantics<arbitrary>], iteration_bounds = array<i64: 123>, scalar_prefetch = 0 : i64, scratch_operands = 0 : i64, tpu.core_type = #tpu.core_type<tc>, window_params = [{transform_indices = @transform_0, window_bounds = array<i64: 64, 8192>}, {pipeline_mode = #tpu.pipeline_mode<synchronous>, transform_indices = @transform_1, window_bounds = array<i64: 64, 128>}, {transform_indices = @transform_2, window_bounds = array<i64: 8192, 128>}]} {
    %get3A = arith.constant 0 : index
    %get3A_0 = arith.constant 0 : index
    %get3A_1 = vector.load %arg1[%get3A, %get3A_0] : memref<64x8192xf32, #tpu.memory_space<vmem>>, vector<64x8192xf32>
    %get3A_2 = arith.constant 0 : index
    %get3A_3 = arith.constant 0 : index
    %get3A_4 = vector.load %arg2[%get3A_2, %get3A_3] : memref<64x128xf32, #tpu.memory_space<vmem>>, vector<64x128xf32>
    %dot_general3A = arith.constant dense<0.000000e+00> : vector<8192x128xf32>
    %dot_general3A_5 = tpu.matmul %get3A_1, %get3A_4, %dot_general3A {dimension_numbers = #tpu.dot_dimension_numbers<[0], [0], [1], [1], [0, 1, 1, 1], [], []>, precision = #tpu.contract_precision<fp32>, transpose_lhs_hint = false} : vector<64x8192xf32>, vector<64x128xf32>, vector<8192x128xf32> -> vector<8192x128xf32>
    %swap3A = arith.constant 0 : index
    %swap3A_6 = arith.constant 0 : index
    %swap3A_7 = vector.load %arg3[%swap3A, %swap3A_6] : memref<8192x128xf32, #tpu.memory_space<vmem>>, vector<8192x128xf32>
    tpu.vector_store %arg3[%swap3A, %swap3A_6], %dot_general3A_5 {strides = array<i32>} : memref<8192x128xf32, #tpu.memory_space<vmem>>, vector<8192x128xf32>,
    return
  }
  func.func @transform_0(%arg0: i32) -> (i32, i32) {
    %c0_i32 = arith.constant 0 : i32
    %c0_i32_0 = arith.constant 0 : i32
    return %c0_i32, %arg0 : i32, i32
  }
  func.func @transform_1(%arg0: i32) -> (i32, i32) {
    %c0_i32 = arith.constant 0 : i32
    %c0_i32_0 = arith.constant 0 : i32
    %c0_i32_1 = arith.constant 0 : i32
    return %c0_i32, %c0_i32_0 : i32, i32
  }
  func.func @transform_2(%arg0: i32) -> (i32, i32) {
    %c0_i32 = arith.constant 0 : i32
    %c0_i32_0 = arith.constant 0 : i32
    return %arg0, %c0_i32 : i32, i32
  }
}

module attributes {stable_mosaic.version = 14 : i64} {
  func.func @_proj_body(%arg0: i32, %arg1: memref<8192x128xf32, #tpu.memory_space<vmem>>, %arg2: memref<128x64xf32, #tpu.memory_space<vmem>>, %arg3: memref<1x128xf32, #tpu.memory_space<vmem>>, %arg4: memref<8192x128xf32, #tpu.memory_space<vmem>>) attributes {dimension_semantics = [#tpu.dimension_semantics<arbitrary>], iteration_bounds = array<i64: 25>, scalar_prefetch = 0 : i64, scratch_operands = 0 : i64, tpu.core_type = #tpu.core_type<tc>, window_params = [{transform_indices = @transform_0, window_bounds = array<i64: 8192, 128>}, {pipeline_mode = #tpu.pipeline_mode<synchronous>, transform_indices = @transform_1, window_bounds = array<i64: 128, 64>}, {pipeline_mode = #tpu.pipeline_mode<synchronous>, transform_indices = @transform_2, window_bounds = array<i64: 1, 128>}, {transform_indices = @transform_3, window_bounds = array<i64: 8192, 128>}]} {
    %get3A = arith.constant 0 : index
    %get3A_0 = arith.constant 0 : index
    %get3A_1 = vector.load %arg1[%get3A, %get3A_0] : memref<8192x128xf32, #tpu.memory_space<vmem>>, vector<8192x128xf32>
    %slice3A = vector.extract_strided_slice %get3A_1 {offsets = [0, 0], sizes = [8192, 64], strides = [1, 1]} : vector<8192x128xf32> to vector<8192x64xf32>
    %mul3A = arith.constant 5.000000e-01 : f32
    %mul3A_2 = vector.broadcast %mul3A : f32 to vector<8192x64xf32>
    %mul3A_3 = arith.mulf %mul3A_2, %slice3A : vector<8192x64xf32>
    %mul3A_4 = arith.constant 0.707106769 : f32
    %mul3A_5 = vector.broadcast %mul3A_4 : f32 to vector<8192x64xf32>
    %mul3A_6 = arith.mulf %slice3A, %mul3A_5 : vector<8192x64xf32>
    %erf3A = math.erf %mul3A_6 : vector<8192x64xf32>
    %add3A = arith.constant 1.000000e+00 : f32
    %add3A_7 = vector.broadcast %add3A : f32 to vector<8192x64xf32>
    %add3A_8 = arith.addf %add3A_7, %erf3A : vector<8192x64xf32>
    %mul3A_9 = arith.mulf %mul3A_3, %add3A_8 : vector<8192x64xf32>
    %get3A_10 = arith.constant 0 : index
    %get3A_11 = arith.constant 0 : index
    %get3A_12 = vector.load %arg2[%get3A_10, %get3A_11] : memref<128x64xf32, #tpu.memory_space<vmem>>, vector<128x64xf32>
    %dot_general3A = arith.constant dense<0.000000e+00> : vector<8192x128xf32>
    %dot_general3A_13 = tpu.matmul %mul3A_9, %get3A_12, %dot_general3A {dimension_numbers = #tpu.dot_dimension_numbers<[1], [1], [0], [0], [0, 0, 1, 0], [], []>, transpose_lhs_hint = false} : vector<8192x64xf32>, vector<128x64xf32>, vector<8192x128xf32> -> vector<8192x128xf32>
    %get3A_14 = arith.constant 0 : index
    %get3A_15 = arith.constant 0 : index
    %get3A_16 = vector.load %arg3[%get3A_14, %get3A_15] : memref<1x128xf32, #tpu.memory_space<vmem>>, vector<1x128xf32>
    %add3A_17 = vector.broadcast %get3A_16 : vector<1x128xf32> to vector<8192x128xf32>
    %add3A_18 = arith.addf %dot_general3A_13, %add3A_17 : vector<8192x128xf32>
    %swap3A = arith.constant 0 : index
    %swap3A_19 = arith.constant 0 : index
    %swap3A_20 = vector.load %arg4[%swap3A, %swap3A_19] : memref<8192x128xf32, #tpu.memory_space<vmem>>, vector<8192x128xf32>
    tpu.vector_store %arg4[%swap3A, %swap3A_19], %add3A_18 {strides = array<i32>} : memref<8192x128xf32, #tpu.memory_space<vmem>>, vector<8192x128xf32>,
    return
  }
  func.func @transform_0(%arg0: i32) -> (i32, i32) {
    %c0_i32 = arith.constant 0 : i32
    %c0_i32_0 = arith.constant 0 : i32
    return %arg0, %c0_i32 : i32, i32
  }
  func.func @transform_1(%arg0: i32) -> (i32, i32) {
    %c0_i32 = arith.constant 0 : i32
    %c0_i32_0 = arith.constant 0 : i32
    %c0_i32_1 = arith.constant 0 : i32
    return %c0_i32, %c0_i32_0 : i32, i32
  }
  func.func @transform_2(%arg0: i32) -> (i32, i32) {
    %c0_i32 = arith.constant 0 : i32
    %c0_i32_0 = arith.constant 0 : i32
    %c0_i32_1 = arith.constant 0 : i32
    return %c0_i32, %c0_i32_0 : i32, i32
  }
  func.func @transform_3(%arg0: i32) -> (i32, i32) {
    %add3A = arith.constant 0 : i32
    %add3A_0 = arith.addi %arg0, %add3A : i32
    %c0_i32 = arith.constant 0 : i32
    %c0_i32_1 = arith.constant 0 : i32
    return %add3A_0, %c0_i32 : i32, i32
  }
}

module attributes {stable_mosaic.version = 14 : i64} {
  func.func @_proj_body_acc(%arg0: i32, %arg1: memref<819200x128xf32, #tpu.memory_space<any>>, %arg2: memref<8192x128xf32, #tpu.memory_space<vmem>>, %arg3: memref<128x64xf32, #tpu.memory_space<vmem>>, %arg4: memref<1x128xf32, #tpu.memory_space<vmem>>, %arg5: memref<8192x128xf32, #tpu.memory_space<vmem>>) attributes {dimension_semantics = [#tpu.dimension_semantics<arbitrary>], iteration_bounds = array<i64: 25>, scalar_prefetch = 0 : i64, scratch_operands = 0 : i64, tpu.core_type = #tpu.core_type<tc>, window_params = [{}, {transform_indices = @transform_1, window_bounds = array<i64: 8192, 128>}, {pipeline_mode = #tpu.pipeline_mode<synchronous>, transform_indices = @transform_2, window_bounds = array<i64: 128, 64>}, {pipeline_mode = #tpu.pipeline_mode<synchronous>, transform_indices = @transform_3, window_bounds = array<i64: 1, 128>}, {transform_indices = @transform_4, window_bounds = array<i64: 8192, 128>}]} {
    %get3A = arith.constant 0 : index
    %get3A_0 = arith.constant 0 : index
    %get3A_1 = vector.load %arg2[%get3A, %get3A_0] : memref<8192x128xf32, #tpu.memory_space<vmem>>, vector<8192x128xf32>
    %slice3A = vector.extract_strided_slice %get3A_1 {offsets = [0, 0], sizes = [8192, 64], strides = [1, 1]} : vector<8192x128xf32> to vector<8192x64xf32>
    %mul3A = arith.constant 5.000000e-01 : f32
    %mul3A_2 = vector.broadcast %mul3A : f32 to vector<8192x64xf32>
    %mul3A_3 = arith.mulf %mul3A_2, %slice3A : vector<8192x64xf32>
    %mul3A_4 = arith.constant 0.707106769 : f32
    %mul3A_5 = vector.broadcast %mul3A_4 : f32 to vector<8192x64xf32>
    %mul3A_6 = arith.mulf %slice3A, %mul3A_5 : vector<8192x64xf32>
    %erf3A = math.erf %mul3A_6 : vector<8192x64xf32>
    %add3A = arith.constant 1.000000e+00 : f32
    %add3A_7 = vector.broadcast %add3A : f32 to vector<8192x64xf32>
    %add3A_8 = arith.addf %add3A_7, %erf3A : vector<8192x64xf32>
    %mul3A_9 = arith.mulf %mul3A_3, %add3A_8 : vector<8192x64xf32>
    %get3A_10 = arith.constant 0 : index
    %get3A_11 = arith.constant 0 : index
    %get3A_12 = vector.load %arg3[%get3A_10, %get3A_11] : memref<128x64xf32, #tpu.memory_space<vmem>>, vector<128x64xf32>
    %dot_general3A = arith.constant dense<0.000000e+00> : vector<8192x128xf32>
    %dot_general3A_13 = tpu.matmul %mul3A_9, %get3A_12, %dot_general3A {dimension_numbers = #tpu.dot_dimension_numbers<[1], [1], [0], [0], [0, 0, 1, 0], [], []>, transpose_lhs_hint = false} : vector<8192x64xf32>, vector<128x64xf32>, vector<8192x128xf32> -> vector<8192x128xf32>
    %get3A_14 = arith.constant 0 : index
    %get3A_15 = arith.constant 0 : index
    %get3A_16 = vector.load %arg4[%get3A_14, %get3A_15] : memref<1x128xf32, #tpu.memory_space<vmem>>, vector<1x128xf32>
    %add3A_17 = vector.broadcast %get3A_16 : vector<1x128xf32> to vector<8192x128xf32>
    %add3A_18 = arith.addf %dot_general3A_13, %add3A_17 : vector<8192x128xf32>
    %swap3A = arith.constant 0 : index
    %swap3A_19 = arith.constant 0 : index
    %swap3A_20 = vector.load %arg5[%swap3A, %swap3A_19] : memref<8192x128xf32, #tpu.memory_space<vmem>>, vector<8192x128xf32>
    tpu.vector_store %arg5[%swap3A, %swap3A_19], %add3A_18 {strides = array<i32>} : memref<8192x128xf32, #tpu.memory_space<vmem>>, vector<8192x128xf32>,
    return
  }
  func.func @transform_1(%arg0: i32) -> (i32, i32) {
    %c0_i32 = arith.constant 0 : i32
    %c0_i32_0 = arith.constant 0 : i32
    return %arg0, %c0_i32 : i32, i32
  }
  func.func @transform_2(%arg0: i32) -> (i32, i32) {
    %c0_i32 = arith.constant 0 : i32
    %c0_i32_0 = arith.constant 0 : i32
    %c0_i32_1 = arith.constant 0 : i32
    return %c0_i32, %c0_i32_0 : i32, i32
  }
  func.func @transform_3(%arg0: i32) -> (i32, i32) {
    %c0_i32 = arith.constant 0 : i32
    %c0_i32_0 = arith.constant 0 : i32
    %c0_i32_1 = arith.constant 0 : i32
    return %c0_i32, %c0_i32_0 : i32, i32
  }
  func.func @transform_4(%arg0: i32) -> (i32, i32) {
    %add3A = arith.constant 50 : i32
    %add3A_0 = arith.addi %arg0, %add3A : i32
    %c0_i32 = arith.constant 0 : i32
    %c0_i32_1 = arith.constant 0 : i32
    return %add3A_0, %c0_i32 : i32, i32
  }
}

module attributes {stable_mosaic.version = 14 : i64} {
  func.func @_proj_body_acc(%arg0: i32, %arg1: memref<819200x128xf32, #tpu.memory_space<any>>, %arg2: memref<8192x128xf32, #tpu.memory_space<vmem>>, %arg3: memref<128x64xf32, #tpu.memory_space<vmem>>, %arg4: memref<1x128xf32, #tpu.memory_space<vmem>>, %arg5: memref<8192x128xf32, #tpu.memory_space<vmem>>) attributes {dimension_semantics = [#tpu.dimension_semantics<arbitrary>], iteration_bounds = array<i64: 25>, scalar_prefetch = 0 : i64, scratch_operands = 0 : i64, tpu.core_type = #tpu.core_type<tc>, window_params = [{}, {transform_indices = @transform_1, window_bounds = array<i64: 8192, 128>}, {pipeline_mode = #tpu.pipeline_mode<synchronous>, transform_indices = @transform_2, window_bounds = array<i64: 128, 64>}, {pipeline_mode = #tpu.pipeline_mode<synchronous>, transform_indices = @transform_3, window_bounds = array<i64: 1, 128>}, {transform_indices = @transform_4, window_bounds = array<i64: 8192, 128>}]} {
    %get3A = arith.constant 0 : index
    %get3A_0 = arith.constant 0 : index
    %get3A_1 = vector.load %arg2[%get3A, %get3A_0] : memref<8192x128xf32, #tpu.memory_space<vmem>>, vector<8192x128xf32>
    %slice3A = vector.extract_strided_slice %get3A_1 {offsets = [0, 0], sizes = [8192, 64], strides = [1, 1]} : vector<8192x128xf32> to vector<8192x64xf32>
    %mul3A = arith.constant 5.000000e-01 : f32
    %mul3A_2 = vector.broadcast %mul3A : f32 to vector<8192x64xf32>
    %mul3A_3 = arith.mulf %mul3A_2, %slice3A : vector<8192x64xf32>
    %mul3A_4 = arith.constant 0.707106769 : f32
    %mul3A_5 = vector.broadcast %mul3A_4 : f32 to vector<8192x64xf32>
    %mul3A_6 = arith.mulf %slice3A, %mul3A_5 : vector<8192x64xf32>
    %erf3A = math.erf %mul3A_6 : vector<8192x64xf32>
    %add3A = arith.constant 1.000000e+00 : f32
    %add3A_7 = vector.broadcast %add3A : f32 to vector<8192x64xf32>
    %add3A_8 = arith.addf %add3A_7, %erf3A : vector<8192x64xf32>
    %mul3A_9 = arith.mulf %mul3A_3, %add3A_8 : vector<8192x64xf32>
    %get3A_10 = arith.constant 0 : index
    %get3A_11 = arith.constant 0 : index
    %get3A_12 = vector.load %arg3[%get3A_10, %get3A_11] : memref<128x64xf32, #tpu.memory_space<vmem>>, vector<128x64xf32>
    %dot_general3A = arith.constant dense<0.000000e+00> : vector<8192x128xf32>
    %dot_general3A_13 = tpu.matmul %mul3A_9, %get3A_12, %dot_general3A {dimension_numbers = #tpu.dot_dimension_numbers<[1], [1], [0], [0], [0, 0, 1, 0], [], []>, transpose_lhs_hint = false} : vector<8192x64xf32>, vector<128x64xf32>, vector<8192x128xf32> -> vector<8192x128xf32>
    %get3A_14 = arith.constant 0 : index
    %get3A_15 = arith.constant 0 : index
    %get3A_16 = vector.load %arg4[%get3A_14, %get3A_15] : memref<1x128xf32, #tpu.memory_space<vmem>>, vector<1x128xf32>
    %add3A_17 = vector.broadcast %get3A_16 : vector<1x128xf32> to vector<8192x128xf32>
    %add3A_18 = arith.addf %dot_general3A_13, %add3A_17 : vector<8192x128xf32>
    %swap3A = arith.constant 0 : index
    %swap3A_19 = arith.constant 0 : index
    %swap3A_20 = vector.load %arg5[%swap3A, %swap3A_19] : memref<8192x128xf32, #tpu.memory_space<vmem>>, vector<8192x128xf32>
    tpu.vector_store %arg5[%swap3A, %swap3A_19], %add3A_18 {strides = array<i32>} : memref<8192x128xf32, #tpu.memory_space<vmem>>, vector<8192x128xf32>,
    return
  }
  func.func @transform_1(%arg0: i32) -> (i32, i32) {
    %c0_i32 = arith.constant 0 : i32
    %c0_i32_0 = arith.constant 0 : i32
    return %arg0, %c0_i32 : i32, i32
  }
  func.func @transform_2(%arg0: i32) -> (i32, i32) {
    %c0_i32 = arith.constant 0 : i32
    %c0_i32_0 = arith.constant 0 : i32
    %c0_i32_1 = arith.constant 0 : i32
    return %c0_i32, %c0_i32_0 : i32, i32
  }
  func.func @transform_3(%arg0: i32) -> (i32, i32) {
    %c0_i32 = arith.constant 0 : i32
    %c0_i32_0 = arith.constant 0 : i32
    %c0_i32_1 = arith.constant 0 : i32
    return %c0_i32, %c0_i32_0 : i32, i32
  }
  func.func @transform_4(%arg0: i32) -> (i32, i32) {
    %add3A = arith.constant 25 : i32
    %add3A_0 = arith.addi %arg0, %add3A : i32
    %c0_i32 = arith.constant 0 : i32
    %c0_i32_1 = arith.constant 0 : i32
    return %add3A_0, %c0_i32 : i32, i32
  }
}

module attributes {stable_mosaic.version = 14 : i64} {
  func.func @_proj_body_acc(%arg0: i32, %arg1: memref<819200x128xf32, #tpu.memory_space<any>>, %arg2: memref<8192x128xf32, #tpu.memory_space<vmem>>, %arg3: memref<128x64xf32, #tpu.memory_space<vmem>>, %arg4: memref<1x128xf32, #tpu.memory_space<vmem>>, %arg5: memref<8192x128xf32, #tpu.memory_space<vmem>>) attributes {dimension_semantics = [#tpu.dimension_semantics<arbitrary>], iteration_bounds = array<i64: 25>, scalar_prefetch = 0 : i64, scratch_operands = 0 : i64, tpu.core_type = #tpu.core_type<tc>, window_params = [{}, {transform_indices = @transform_1, window_bounds = array<i64: 8192, 128>}, {pipeline_mode = #tpu.pipeline_mode<synchronous>, transform_indices = @transform_2, window_bounds = array<i64: 128, 64>}, {pipeline_mode = #tpu.pipeline_mode<synchronous>, transform_indices = @transform_3, window_bounds = array<i64: 1, 128>}, {transform_indices = @transform_4, window_bounds = array<i64: 8192, 128>}]} {
    %get3A = arith.constant 0 : index
    %get3A_0 = arith.constant 0 : index
    %get3A_1 = vector.load %arg2[%get3A, %get3A_0] : memref<8192x128xf32, #tpu.memory_space<vmem>>, vector<8192x128xf32>
    %slice3A = vector.extract_strided_slice %get3A_1 {offsets = [0, 0], sizes = [8192, 64], strides = [1, 1]} : vector<8192x128xf32> to vector<8192x64xf32>
    %mul3A = arith.constant 5.000000e-01 : f32
    %mul3A_2 = vector.broadcast %mul3A : f32 to vector<8192x64xf32>
    %mul3A_3 = arith.mulf %mul3A_2, %slice3A : vector<8192x64xf32>
    %mul3A_4 = arith.constant 0.707106769 : f32
    %mul3A_5 = vector.broadcast %mul3A_4 : f32 to vector<8192x64xf32>
    %mul3A_6 = arith.mulf %slice3A, %mul3A_5 : vector<8192x64xf32>
    %erf3A = math.erf %mul3A_6 : vector<8192x64xf32>
    %add3A = arith.constant 1.000000e+00 : f32
    %add3A_7 = vector.broadcast %add3A : f32 to vector<8192x64xf32>
    %add3A_8 = arith.addf %add3A_7, %erf3A : vector<8192x64xf32>
    %mul3A_9 = arith.mulf %mul3A_3, %add3A_8 : vector<8192x64xf32>
    %get3A_10 = arith.constant 0 : index
    %get3A_11 = arith.constant 0 : index
    %get3A_12 = vector.load %arg3[%get3A_10, %get3A_11] : memref<128x64xf32, #tpu.memory_space<vmem>>, vector<128x64xf32>
    %dot_general3A = arith.constant dense<0.000000e+00> : vector<8192x128xf32>
    %dot_general3A_13 = tpu.matmul %mul3A_9, %get3A_12, %dot_general3A {dimension_numbers = #tpu.dot_dimension_numbers<[1], [1], [0], [0], [0, 0, 1, 0], [], []>, transpose_lhs_hint = false} : vector<8192x64xf32>, vector<128x64xf32>, vector<8192x128xf32> -> vector<8192x128xf32>
    %get3A_14 = arith.constant 0 : index
    %get3A_15 = arith.constant 0 : index
    %get3A_16 = vector.load %arg4[%get3A_14, %get3A_15] : memref<1x128xf32, #tpu.memory_space<vmem>>, vector<1x128xf32>
    %add3A_17 = vector.broadcast %get3A_16 : vector<1x128xf32> to vector<8192x128xf32>
    %add3A_18 = arith.addf %dot_general3A_13, %add3A_17 : vector<8192x128xf32>
    %swap3A = arith.constant 0 : index
    %swap3A_19 = arith.constant 0 : index
    %swap3A_20 = vector.load %arg5[%swap3A, %swap3A_19] : memref<8192x128xf32, #tpu.memory_space<vmem>>, vector<8192x128xf32>
    tpu.vector_store %arg5[%swap3A, %swap3A_19], %add3A_18 {strides = array<i32>} : memref<8192x128xf32, #tpu.memory_space<vmem>>, vector<8192x128xf32>,
    return
  }
  func.func @transform_1(%arg0: i32) -> (i32, i32) {
    %c0_i32 = arith.constant 0 : i32
    %c0_i32_0 = arith.constant 0 : i32
    return %arg0, %c0_i32 : i32, i32
  }
  func.func @transform_2(%arg0: i32) -> (i32, i32) {
    %c0_i32 = arith.constant 0 : i32
    %c0_i32_0 = arith.constant 0 : i32
    %c0_i32_1 = arith.constant 0 : i32
    return %c0_i32, %c0_i32_0 : i32, i32
  }
  func.func @transform_3(%arg0: i32) -> (i32, i32) {
    %c0_i32 = arith.constant 0 : i32
    %c0_i32_0 = arith.constant 0 : i32
    %c0_i32_1 = arith.constant 0 : i32
    return %c0_i32, %c0_i32_0 : i32, i32
  }
  func.func @transform_4(%arg0: i32) -> (i32, i32) {
    %add3A = arith.constant 75 : i32
    %add3A_0 = arith.addi %arg0, %add3A : i32
    %c0_i32 = arith.constant 0 : i32
    %c0_i32_1 = arith.constant 0 : i32
    return %add3A_0, %c0_i32 : i32, i32
  }
}

</mosaic_0001>

<sc_bundles>
// kernel: kernel.12.cloned.1.call-start
scs
__scs_entry_jumppad:
0x0: {  	(pc) =	sbr.rel $0x88, $3  }
0x1: {  	(tag) =	ssettag $0x0;
	lr =	simm.s32 $0x1  }
0x2: {  	[smem:$0x3F9D] =	sst lr;
	_ =	strace $0xD0000000  }
0x3: {  	_ = 	snop  }
0x4: {  	_ = 	snop  }
0x5: {  	_ = 	snop  }
0x6: {  	_ = 	snop  }
0x7: {  	_ = 	snop  }
__scs_overlays_trampoline_lowered:
0x8: {  	[smem:$0x3FAC] =	sst s0  }
0x9: {  	[smem:$0x3FAD] =	sst s1  }
0xa: {  	[smem:$0x3FAE] =	sst s2  }
0xb: {  	[smem:$0x3FAF] =	sst s3  }
0xc: {  	[smem:$0x3FB0] =	sst s4  }
0xd: {  	[smem:$0x3FB1] =	sst s5  }
0xe: {  	[smem:$0x3FB2] =	sst s6  }
0xf: {  	[smem:$0x3FB3] =	sst s7  }
0x10: {  	[smem:$0x3FB4] =	sst s8  }
0x11: {  	[smem:$0x3FB5] =	sst s9;
	s0 =	simm.s32 @!p0 $0x0  }
0x12: {  	s1 =	sld [smem:$0x3F9B];
	s0 =	simm.s32 @p0 $0x1  }
0x13: {  	[smem:$0x3FB6] =	sst s0;
	s0 =	simm.s32 @!p1 $0x0  }
0x14: {  	s2 =	sld [smem:$0x3F9A];
	s0 =	simm.s32 @p1 $0x1  }
0x15: {  	[smem:$0x3FB7] =	sst s0;
	s0 =	simm.s32 @!p2 $0x0  }
0x16: {  	s3 =	sld [smem:$0x3FDB];
	s0 =	simm.s32 @p2 $0x1  }
0x17: {  	s4 =	simm.s32 $0x1BF5;
	[smem:$0x3FB9] =	sst s0  }
0x18: {  	s0 =	sld [smem:$0x3F9C];
	_ =	swait.ge [sflag:s4], $0x0  }
0x19: {  	s7 =	sld [smem:$0x3F9D]  }
0x1a: {  	s8 =	sadd.s32 $0xFFFFE003, lr  }
0x1b: {  	s9 =	sadd.s32 $0xFFFFFEF7, lr;
	s5 =	simm.s32 $0xFFFFFFFF;
	p2 =	slt.u32 s8, $0xFFFFF086  }
0x1c: {  	p1 =	slt.u32 s9, $0xF7A;
	s5 =	simm.s32 @!p2 $0x0  }
0x1d: {  	s5 =	simm.s32 @p1 $0x1;
	p0 =	seq.s32 s7, s2  }
0x1e: {  	s7 =	smul.u32 @!p0 $0xF7A, s2;
	p2 =	seq.s32 @!p0 s5, $0x0  }
0x1f: {  	s9 =	smul.u32 $0xF7A, s1;
	s8 =	simm.s32 @!p0 $0x1BF5;
	p2 =	por !p2, p0  }
0x20: {  	[sflag:s8] =	ssyncset.s32 @!p0 $0xFFFFF086;
	s6 =	sadd.s32 @!p0 s3, s7;
	s7 =	simm.s32 @!p0 $0x108  }
0x21: {  	s3 =	sadd.s32 s3, s9;
	s6 =	sadd.s32 @!p0 $0x88, s6;
	s7 =	simm.s32 @p2 $0x1082  }
0x22: {  	[simem:s7], [sflag:s8] =	dma.local @!p0 [hbm:s6], $0xF7A  }
0x23: {  	s9 =	sor.u32 $0xD0000000, s2;
	s6 =	simm.s32 $0x108;
	_ =	swait.ge @!p0 [sflag:s8], $0x0  }
0x24: {  	s3 =	sadd.s32 $0x88, s3;
	s6 =	simm.s32 @!p1 $0x1082;
	[sflag:s4] =	ssyncset.s32 $0xFFFFF086  }
0x25: {  	[simem:s6], [sflag:s4] =	dma.local [hbm:s3], $0xF7A  }
0x26: {  	[smem:$0x3F9D] =	sst s1;
	(tag) =	ssettag s2;
	_ =	strace s9  }
0x27: {  	s1 =	sld [smem:$0x3FAD]  }
0x28: {  	s2 =	sld [smem:$0x3FAE]  }
0x29: {  	s4 =	sld [smem:$0x3FB0]  }
0x2a: {  	p0 =	seq.s32 s5, $0x0;
	s5 =	sld [smem:$0x3FB1]  }
0x2b: {  	s6 =	sld [smem:$0x3FB2]  }
0x2c: {  	s7 =	sld [smem:$0x3FB3]  }
0x2d: {  	s3 =	simm.s32 $0x108;
	s8 =	sld [smem:$0x3FB4]  }
0x2e: {  	s3 =	simm.s32 @!p0 $0x1082;
	s9 =	sld [smem:$0x3FB5]  }
0x2f: {  	lr =	sadd.s32 s0, s3;
	s0 =	sld [smem:$0x3FAC]  }
0x30: {  	s3 =	sld [smem:$0x3FAF]  }
0x31: {  	[smem:$0x3FB8] =	sst s10  }
0x32: {  	s10 =	sld [smem:$0x3FB6];
	_ =	sdelay $0x3  }
0x33: {  	p0 =	seq.s32 s10, $0x1;
	s10 =	sld [smem:$0x3FB8];
	_ =	sdelay $0x3  }
0x34: {  	[smem:$0x3FB8] =	sst s10  }
0x35: {  	s10 =	sld [smem:$0x3FB7];
	_ =	sdelay $0x3  }
0x36: {  	p1 =	seq.s32 s10, $0x1;
	s10 =	sld [smem:$0x3FB8];
	_ =	sdelay $0x3  }
0x37: {  	[smem:$0x3FB8] =	sst s10  }
0x38: {  	s10 =	sld [smem:$0x3FB9]  }
0x39: {  	_ = 	snop;
	(pc) =	sbr.ind lr, $3  }
0x3a: {  	_ = 	snop  }
0x3b: {  	_ = 	snop  }
0x3c: {  	p2 =	seq.s32 s10, $0x1;
	s10 =	sld [smem:$0x3FB8]  }
0x3d: {  	_ =	shalt  }
0x3e: {  	_ =	shalt  }
0x3f: {  	_ =	shalt  }
0x40: {  	_ =	shalt  }
0x41: {  	_ =	shalt  }
0x42: {  	_ =	shalt  }
0x43: {  	_ =	shalt  }
0x44: {  	_ =	shalt  }
0x45: {  	_ =	shalt  }
0x46: {  	_ =	shalt  }
0x47: {  	_ =	shalt  }
0x48: {  	_ =	shalt  }
0x49: {  	_ =	shalt  }
0x4a: {  	_ =	shalt  }
0x4b: {  	_ =	shalt  }
0x4c: {  	_ =	shalt  }
0x4d: {  	_ =	shalt  }
0x4e: {  	_ =	shalt  }
0x4f: {  	_ =	shalt  }
0x50: {  	_ =	shalt  }
0x51: {  	_ =	shalt  }
0x52: {  	_ =	shalt  }
0x53: {  	_ =	shalt  }
0x54: {  	_ =	shalt  }
0x55: {  	_ =	shalt  }
0x56: {  	_ =	shalt  }
0x57: {  	_ =	shalt  }
0x58: {  	_ =	shalt  }
0x59: {  	_ =	shalt  }
0x5a: {  	_ =	shalt  }
0x5b: {  	_ =	shalt  }
0x5c: {  	_ =	shalt  }
0x5d: {  	_ =	shalt  }
0x5e: {  	_ =	shalt  }
0x5f: {  	_ =	shalt  }
0x60: {  	_ =	shalt  }
0x61: {  	_ =	shalt  }
0x62: {  	_ =	shalt  }
0x63: {  	_ =	shalt  }
0x64: {  	_ =	shalt  }
0x65: {  	_ =	shalt  }
0x66: {  	_ =	shalt  }
0x67: {  	_ =	shalt  }
0x68: {  	_ =	shalt  }
0x69: {  	_ =	shalt  }
0x6a: {  	_ =	shalt  }
0x6b: {  	_ =	shalt  }
0x6c: {  	_ =	shalt  }
0x6d: {  	_ =	shalt  }
0x6e: {  	_ =	shalt  }
0x6f: {  	_ =	shalt  }
0x70: {  	_ =	shalt  }
0x71: {  	_ =	shalt  }
0x72: {  	_ =	shalt  }
0x73: {  	_ =	shalt  }
0x74: {  	_ =	shalt  }
0x75: {  	_ =	shalt  }
0x76: {  	_ =	shalt  }
0x77: {  	_ =	shalt  }
0x78: {  	_ =	shalt  }
0x79: {  	_ =	shalt  }
0x7a: {  	_ =	shalt  }
0x7b: {  	_ =	shalt  }
0x7c: {  	_ =	shalt  }
0x7d: {  	_ =	shalt  }
0x7e: {  	_ =	shalt  }
0x7f: {  	_ =	shalt  }
0x80: {  	_ =	shalt  }
0x81: {  	_ =	shalt  }
0x82: {  	_ =	shalt  }
0x83: {  	_ =	shalt  }
0x84: {  	_ =	shalt  }
0x85: {  	_ =	shalt  }
0x86: {  	_ =	shalt  }
0x87: {  	_ =	shalt  }
.Lfunc_end0:
.L_simem_size_0:
called_computation_lowered:
.L_overlay_start_0:
0x88: {  	s2 =	sld [smem:$0x3FD9]  }
0x89: {  	s3 =	sld [smem:$0x3FFE];
	_ =	sdelay $0x1  }
0x8a: {  	s1 =	srdreg.scid  }
0x8b: {  	s0 =	sand.u32 $0x1, s1  }
0x8c: {  	s17 =	sshll.u32 s0, $0xA;
	s2 =	sadd.s32 s3, s2  }
0x8d: {  	s2 =	sadd.s32 s2, s17  }
0x8e: {  	[smem:$0x3FC4] =	sst s2  }
0x8f: {  	_ = 	snop  }
0x90: {  	s2 =	sld [smem:$0x3FD0];
	(tm) =	ssettm $0x1  }
0x91: {  	s18 =	sld [smem:$0x3FFB];
	_ =	sdelay $0x3  }
0x92: {  	_ =	strace s18  }
0x93: {  	s3 =	sld [smem:$0x3FFC];
	_ =	sdelay $0x3  }
0x94: {  	_ =	strace s3  }
0x95: {  	s3 =	sld [smem:$0x3FFD];
	_ =	sdelay $0x3  }
0x96: {  	_ =	strace s3  }
0x97: {  	_ =	strace $0x8FFFFFFF  }
0x98: {  	s19 =	sld [smem:$0x3FDB];
	_ =	sdelay $0x1  }
0x99: {  	s4 =	simm.s32 $_scs_section_size  }
0x9a: {  	s5 =	simm.s32 $_size__tile_overlayer_lowered;
	s6 =	simm.s32 $_tile_overlayer_lowered  }
0x9b: {  	s22 =	simm.s32 $0x1BFF;
	s21 =	sshll.u32 s6, $0x1;
	s3 =	sadd.s32 s4, s19  }
0x9c: {  	s7 =	simm.s32 $0x0;
	s20 =	sshll.u32 s5, $0x1;
	s5 =	sadd.s32 s21, s3  }
0x9d: {  	[timem:s7], [sflag:s22] =	dma.local [hbm:s5], s20  }
0x9e: {  	_ =	swait.ge [sflag:s22], s20  }
0x9f: {  	s4 =	ssub.s32 $0x0, s20;
	[sflag:s22] =	ssyncset.done $0x0  }
0xa0: {  	[sflag:s22] =	ssyncadd.s32 s4;
	_ =	sdelay $0x1  }
0xa1: {  	s23 =	simm.s32 $0x1B8B  }
0xa2: {  	_ =	swait.ge [sflag:s23], $0x1  }
0xa3: {  	[sflag:s23] =	ssyncset.done $0x0  }
0xa4: {  	s25 =	simm.s32 $0x1B8E;
	s24 =	sld [smem:$0x3FFE];
	[sflag:s23] =	ssyncadd.s32 $0xFFFFFFFF  }
0xa5: {  	s26 =	simm.s32 $execute0_lowered;
	[smem:$0x3FD2] =	sst s25  }
0xa6: {  	s5 =	sshll.u32 s26, $0x1;
	_ =	strace $0x80000046;
	[dreg:$0x1] =	wrdreg $0xFFFFFFFF  }
0xa7: {  	s28 =	simm.s32 $_size_execute0_lowered;
	s3 =	sadd.s32 s3, s5;
	[dreg:$0x0] =	wrdreg $0x0  }
0xa8: {  	s5 =	sshll.u32 s28, $0x1;
	[dreg:$0x2] =	wrdreg s3  }
0xa9: {  	[dreg:$0x3] =	wrdreg s5  }
0xaa: {  	[dreg:$0x4] =	wrdreg $0xC0  }
0xab: {  	_ =	task [dreg:s7], $0x5FFFF  }
0xac: {  	[dreg:$0x1] =	wrdreg $0xFFFFFFFF  }
0xad: {  	[dreg:$0x0] =	wrdreg $0x60  }
0xae: {  	[dreg:$0x2] =	wrdreg s2  }
0xaf: {  	[dreg:$0x3] =	wrdreg s24  }
0xb0: {  	[dreg:$0x4] =	wrdreg $0x9  }
0xb1: {  	_ =	task.clear_ibuf [dreg:s7], $0x5FFFF;
	_ =	strace $0x90000046  }
0xb2: {  	s29 =	simm.s32 $0x9;
	_ =	strace $0x80000048  }
0xb3: {  	_ =	swait.ge [sflag:s29], $0x1  }
0xb4: {  	[sflag:s29] =	ssyncadd.s32 $0xFFFFFFFF  }
0xb5: {  	_ =	strace $0x90000048  }
0xb6: {  	_ =	sfence  }
0xb7: {  	s30 =	sld [smem:$0x0];
	_ =	sdelay $0x2  }
0xb8: {  	s31 =	sshll.u32 s1, $0xD;
	s1 =	sshrl.u32 s1, $0x2  }
0xb9: {  	s3 =	sand.u32 $0x4000, s31;
	s1 =	sadd.s32 s1, s30  }
0xba: {  	s0 =	sor.u32 s3, s0;
	s1 =	sshll.u32 s1, $0x11  }
0xbb: {  	s0 =	sor.u32 s1, s0  }
0xbc: {  	s0 =	sadd.s32 $0x8F2B, s0  }
0xbd: {  	[sflag:s0] =	ssyncadd.remote.s32 $0x1  }
0xbe: {  	_ =	sfence.sel $0xFFFF  }
0xbf: {  	[dreg:$0x0] =	wrdreg $0xFFFFFFFF;
	(pc) =	sbr.abs _section_cstart, $3  }
0xc0: {  	[dreg:$0x1] =	wrdreg $0xFFFFFFFF  }
0xc1: {  	_ =	task.clear_ibuf [dreg:s7], $0x2FFFF;
	_ =	strace $0x9FFFFFFF  }
0xc2: {  	(tm) =	ssettm $0x7FFFFFFF  }
0xc3: {  	_ =	shalt  }
tec
execute0_lowered:
.L_overlay_start_1:
0x0: {  	(tag) =	ssettag $0x1  }
0x1: {  	s3 =	rddreg [dreg:$0x0];
	s1 =	srdreg.scid  }
0x2: {  	s0 =	stileid.u32;
	s4 =	rddreg [dreg:$0x1];
	s2 =	simm.s32 $0x0  }
0x3: {  	s5 =	sand.u32 $0x1, s1;
	s6 =	sshll.u32 s0, $0x1;
	s1 =	rddreg [dreg:$0x2]  }
0x4: {  	[smem:$0x7FF] =	sst s2;
	s6 =	sor.u32 s5, s6;
	s5 =	ssub.s32 $0x2, s5  }
0x5: {  	s7 =	smul.u32 $0xC80, s6;
	s8 =	sshrl.u32 s5, $0x1;
	s6 =	sshll.u32 s6, $0xC  }
0x6: {  	_ =	strace $0x80000047;
	s5 =	ssub.s32 s5, s8;
	s3 =	sadd.s32 s3, s6  }
0x7: {  	s6 =	simm.s32 $0x1;
	s8 =	simm.s32 $0x0;
	s4 =	sadd.s32 s7, s4  }
0x8: {  	v0 =	vlaneseq.u32;
	s5 =	smax.u32 s5, $0x1;
	s7 =	simm.s32 $0x8000;
	s4 =	sadd.s32 $0x1A00, s4  }
.LBB2_1:
0x9: {  	[tilespmem:s2], [sflag:$0x1] =	stream.linear.gather [hbm4b:s3+s2], $0x8000, $0x38;
	[tilespmem:$0xE400] =	vst v63  }
0xa: {  	_ =	swait.ge [sflag:s6], $0x8000  }
0xb: {  	s9 =	sand.u32 $0x7800, s2;
	s10 =	sand.u32 $0x380, s2;
	[sflag:s6] =	ssyncset.done $0x0  }
0xc: {  	s9 =	sor.u32 s10, s9;
	[sflag:s6] =	ssyncadd.s32 $0xFFFF8000  }
0xd: {  	s19 =	simm.s32 $0x0;
	v1 =	vld [tilespmem:s9+$0x0]  }
0xe: {  	v2 =	vadd.s32 s19, v0;
	_ =	sdelay $0x3  }
0xf: {  	v1 =	vshll.u32 v1, $0x1  }
0x10: {  	[tilespmem:v2+s7+$0x0] =	vst.idx.msk $0xffff, v1  }
0x11: {  	s20 =	simm.s32 $0x10;
	v1 =	vld [tilespmem:s9+$0x10]  }
0x12: {  	v2 =	vadd.s32 s20, v0;
	_ =	sdelay $0x3  }
0x13: {  	v1 =	vshll.u32 v1, $0x1  }
0x14: {  	[tilespmem:v2+s7+$0x0] =	vst.idx.msk $0xffff, v1  }
0x15: {  	s21 =	simm.s32 $0x20;
	v1 =	vld [tilespmem:s9+$0x20]  }
0x16: {  	v2 =	vadd.s32 s21, v0;
	_ =	sdelay $0x3  }
0x17: {  	v1 =	vshll.u32 v1, $0x1  }
0x18: {  	[tilespmem:v2+s7+$0x0] =	vst.idx.msk $0xffff, v1  }
0x19: {  	s22 =	simm.s32 $0x30;
	v1 =	vld [tilespmem:s9+$0x30]  }
0x1a: {  	v2 =	vadd.s32 s22, v0;
	_ =	sdelay $0x3  }
0x1b: {  	v1 =	vshll.u32 v1, $0x1  }
0x1c: {  	[tilespmem:v2+s7+$0x0] =	vst.idx.msk $0xffff, v1  }
0x1d: {  	s23 =	simm.s32 $0x40;
	v1 =	vld [tilespmem:s9+$0x40]  }
0x1e: {  	v2 =	vadd.s32 s23, v0;
	_ =	sdelay $0x3  }
0x1f: {  	v1 =	vshll.u32 v1, $0x1  }
0x20: {  	[tilespmem:v2+s7+$0x0] =	vst.idx.msk $0xffff, v1  }
0x21: {  	s24 =	simm.s32 $0x50;
	v1 =	vld [tilespmem:s9+$0x50]  }
0x22: {  	v2 =	vadd.s32 s24, v0;
	_ =	sdelay $0x3  }
0x23: {  	v1 =	vshll.u32 v1, $0x1  }
0x24: {  	[tilespmem:v2+s7+$0x0] =	vst.idx.msk $0xffff, v1  }
0x25: {  	s25 =	simm.s32 $0x60;
	v1 =	vld [tilespmem:s9+$0x60]  }
0x26: {  	v2 =	vadd.s32 s25, v0;
	_ =	sdelay $0x3  }
0x27: {  	v1 =	vshll.u32 v1, $0x1  }
0x28: {  	[tilespmem:v2+s7+$0x0] =	vst.idx.msk $0xffff, v1  }
0x29: {  	s26 =	simm.s32 $0x70;
	v1 =	vld [tilespmem:s9+$0x70]  }
0x2a: {  	v2 =	vadd.s32 s26, v0;
	_ =	sdelay $0x3  }
0x2b: {  	v1 =	vshll.u32 v1, $0x1  }
0x2c: {  	[tilespmem:v2+s7+$0x0] =	vst.idx.msk $0xffff, v1  }
0x2d: {  	s28 =	simm.s32 $0x80;
	v1 =	vld [tilespmem:s9+$0x400]  }
0x2e: {  	v2 =	vadd.s32 s28, v0;
	_ =	sdelay $0x3  }
0x2f: {  	v1 =	vshll.u32 v1, $0x1  }
0x30: {  	[tilespmem:v2+s7+$0x0] =	vst.idx.msk $0xffff, v1  }
0x31: {  	s29 =	simm.s32 $0x90;
	v1 =	vld [tilespmem:s9+$0x410]  }
0x32: {  	v2 =	vadd.s32 s29, v0;
	_ =	sdelay $0x3  }
0x33: {  	v1 =	vshll.u32 v1, $0x1  }
0x34: {  	[tilespmem:v2+s7+$0x0] =	vst.idx.msk $0xffff, v1  }
0x35: {  	s30 =	simm.s32 $0xA0;
	v1 =	vld [tilespmem:s9+$0x420]  }
0x36: {  	v2 =	vadd.s32 s30, v0;
	_ =	sdelay $0x3  }
0x37: {  	v1 =	vshll.u32 v1, $0x1  }
0x38: {  	[tilespmem:v2+s7+$0x0] =	vst.idx.msk $0xffff, v1  }
0x39: {  	s31 =	simm.s32 $0xB0;
	v1 =	vld [tilespmem:s9+$0x430]  }
0x3a: {  	v2 =	vadd.s32 s31, v0;
	_ =	sdelay $0x3  }
0x3b: {  	v1 =	vshll.u32 v1, $0x1  }
0x3c: {  	[tilespmem:v2+s7+$0x0] =	vst.idx.msk $0xffff, v1  }
0x3d: {  	v2 =	vld [tilespmem:s9+$0x438]  }
0x3e: {  	s13 =	simm.s32 $0xB8  }
0x3f: {  	v1 =	vadd.s32 s13, v0;
	_ =	sdelay $0x1  }
0x40: {  	s11 =	simm.s32 $0x100;
	s12 =	simm.s32 $0x248;
	s10 =	simm.s32 $0x80  }
0x41: {  	s14 =	sand.u32 $0x380, s10;
	s13 =	sand.u32 $0x7800, s11;
	s9 =	simm.s32 $0x180;
	v2 =	vshll.u32 v2, $0x1  }
.LBB2_2:
0x42: {  	p0 =	sne.s32 s12, $0x63F0  }
0x43: {  	s14 =	sor.u32 s14, s13;
	[tilespmem:v1+s7+$0x0] =	vst.idx.msk $0xffff, v2;
	s13 =	smov.u32 s12;
	s12 =	sadd.s32 $0xC8, s12  }
0x44: {  	s15 =	sadd.s32 $0xFFFFFF48, s9;
	v1 =	vld [tilespmem:s14+$0x0]  }
0x45: {  	v2 =	vadd.s32 s15, v0;
	_ =	sdelay $0x3  }
0x46: {  	v1 =	vshll.u32 v1, $0x1  }
0x47: {  	[tilespmem:v2+s7+$0x0] =	vst.idx.msk $0xffff, v1  }
0x48: {  	s15 =	sadd.s32 $0xFFFFFF58, s9;
	v1 =	vld [tilespmem:s14+$0x10]  }
0x49: {  	v2 =	vadd.s32 s15, v0;
	_ =	sdelay $0x3  }
0x4a: {  	v1 =	vshll.u32 v1, $0x1  }
0x4b: {  	[tilespmem:v2+s7+$0x0] =	vst.idx.msk $0xffff, v1  }
0x4c: {  	s15 =	sadd.s32 $0xFFFFFF68, s9;
	v1 =	vld [tilespmem:s14+$0x20]  }
0x4d: {  	v2 =	vadd.s32 s15, v0;
	_ =	sdelay $0x3  }
0x4e: {  	v1 =	vshll.u32 v1, $0x1  }
0x4f: {  	[tilespmem:v2+s7+$0x0] =	vst.idx.msk $0xffff, v1  }
0x50: {  	s15 =	sadd.s32 $0xFFFFFF78, s9;
	v1 =	vld [tilespmem:s14+$0x30]  }
0x51: {  	v2 =	vadd.s32 s15, v0;
	_ =	sdelay $0x3  }
0x52: {  	v1 =	vshll.u32 v1, $0x1  }
0x53: {  	[tilespmem:v2+s7+$0x0] =	vst.idx.msk $0xffff, v1  }
0x54: {  	s15 =	sadd.s32 $0xFFFFFF88, s9;
	v1 =	vld [tilespmem:s14+$0x40]  }
0x55: {  	v2 =	vadd.s32 s15, v0;
	_ =	sdelay $0x3  }
0x56: {  	v1 =	vshll.u32 v1, $0x1  }
0x57: {  	[tilespmem:v2+s7+$0x0] =	vst.idx.msk $0xffff, v1  }
0x58: {  	s15 =	sadd.s32 $0xFFFFFF98, s9;
	v1 =	vld [tilespmem:s14+$0x50]  }
0x59: {  	v2 =	vadd.s32 s15, v0;
	_ =	sdelay $0x3  }
0x5a: {  	v1 =	vshll.u32 v1, $0x1  }
0x5b: {  	[tilespmem:v2+s7+$0x0] =	vst.idx.msk $0xffff, v1  }
0x5c: {  	s15 =	sadd.s32 $0xFFFFFFA8, s9;
	v1 =	vld [tilespmem:s14+$0x60]  }
0x5d: {  	v2 =	vadd.s32 s15, v0;
	_ =	sdelay $0x3  }
0x5e: {  	v1 =	vshll.u32 v1, $0x1  }
0x5f: {  	[tilespmem:v2+s7+$0x0] =	vst.idx.msk $0xffff, v1  }
0x60: {  	s15 =	sadd.s32 $0xFFFFFFB8, s9;
	v1 =	vld [tilespmem:s14+$0x70]  }
0x61: {  	v2 =	vadd.s32 s15, v0;
	_ =	sdelay $0x3  }
0x62: {  	v1 =	vshll.u32 v1, $0x1  }
0x63: {  	[tilespmem:v2+s7+$0x0] =	vst.idx.msk $0xffff, v1  }
0x64: {  	s15 =	sadd.s32 $0xFFFFFFC8, s9;
	v1 =	vld [tilespmem:s14+$0x400]  }
0x65: {  	v2 =	vadd.s32 s15, v0;
	_ =	sdelay $0x3  }
0x66: {  	v1 =	vshll.u32 v1, $0x1  }
0x67: {  	[tilespmem:v2+s7+$0x0] =	vst.idx.msk $0xffff, v1  }
0x68: {  	s15 =	sadd.s32 $0xFFFFFFD8, s9;
	v1 =	vld [tilespmem:s14+$0x410]  }
0x69: {  	v2 =	vadd.s32 s15, v0;
	_ =	sdelay $0x3  }
0x6a: {  	v1 =	vshll.u32 v1, $0x1  }
0x6b: {  	[tilespmem:v2+s7+$0x0] =	vst.idx.msk $0xffff, v1  }
0x6c: {  	s15 =	sadd.s32 $0xFFFFFFE8, s9;
	v1 =	vld [tilespmem:s14+$0x420]  }
0x6d: {  	v2 =	vadd.s32 s15, v0;
	_ =	sdelay $0x3  }
0x6e: {  	v1 =	vshll.u32 v1, $0x1  }
0x6f: {  	[tilespmem:v2+s7+$0x0] =	vst.idx.msk $0xffff, v1  }
0x70: {  	s15 =	sadd.s32 $0xFFFFFFF8, s9;
	v1 =	vld [tilespmem:s14+$0x430]  }
0x71: {  	v2 =	vadd.s32 s15, v0;
	_ =	sdelay $0x3  }
0x72: {  	v1 =	vshll.u32 v1, $0x1  }
0x73: {  	[tilespmem:v2+s7+$0x0] =	vst.idx.msk $0xffff, v1  }
0x74: {  	v2 =	vld [tilespmem:s14+$0x438]  }
.Ltmp0:
0x75: {  	v1 =	vadd.s32 s9, v0;
	s9 =	smov.u32 s13;
	(pc) =	sbr.rel @p0 .LBB2_2-.Ltmp0, $3  }
0x76: {  	_ =	sdelay $0x1  }
0x77: {  	s10 =	sadd.s32 $0x80, s10;
	s11 =	sadd.s32 $0x100, s11  }
0x78: {  	s13 =	sand.u32 $0x7800, s11;
	s14 =	sand.u32 $0x380, s10;
	v2 =	vshll.u32 v2, $0x1  }
0x79: {  	_ =	sdelay $0x3  }
0x7a: {  	s10 =	sor.u32 s14, s13;
	[tilespmem:v1+s7+$0x0] =	vst.idx.msk $0xffff, v2  }
0x7b: {  	s11 =	sadd.s32 $0xFFFFFF48, s9;
	v1 =	vld [tilespmem:s10+$0x0]  }
0x7c: {  	v2 =	vadd.s32 s11, v0;
	_ =	sdelay $0x3  }
0x7d: {  	v1 =	vshll.u32 v1, $0x1  }
0x7e: {  	[tilespmem:v2+s7+$0x0] =	vst.idx.msk $0xffff, v1  }
0x7f: {  	s20 =	sadd.s32 $0xFFFFFF58, s9;
	v1 =	vld [tilespmem:s10+$0x10]  }
0x80: {  	v2 =	vadd.s32 s20, v0;
	_ =	sdelay $0x3  }
0x81: {  	v1 =	vshll.u32 v1, $0x1  }
0x82: {  	[tilespmem:v2+s7+$0x0] =	vst.idx.msk $0xffff, v1  }
0x83: {  	s21 =	sadd.s32 $0xFFFFFF68, s9;
	v1 =	vld [tilespmem:s10+$0x20]  }
0x84: {  	v2 =	vadd.s32 s21, v0;
	_ =	sdelay $0x3  }
0x85: {  	v1 =	vshll.u32 v1, $0x1  }
0x86: {  	[tilespmem:v2+s7+$0x0] =	vst.idx.msk $0xffff, v1  }
0x87: {  	s22 =	sadd.s32 $0xFFFFFF78, s9;
	v1 =	vld [tilespmem:s10+$0x30]  }
0x88: {  	v2 =	vadd.s32 s22, v0;
	_ =	sdelay $0x3  }
0x89: {  	v1 =	vshll.u32 v1, $0x1  }
0x8a: {  	[tilespmem:v2+s7+$0x0] =	vst.idx.msk $0xffff, v1  }
0x8b: {  	s23 =	sadd.s32 $0xFFFFFF88, s9;
	v1 =	vld [tilespmem:s10+$0x40]  }
0x8c: {  	v2 =	vadd.s32 s23, v0;
	_ =	sdelay $0x3  }
0x8d: {  	v1 =	vshll.u32 v1, $0x1  }
0x8e: {  	[tilespmem:v2+s7+$0x0] =	vst.idx.msk $0xffff, v1  }
0x8f: {  	s24 =	sadd.s32 $0xFFFFFF98, s9;
	v1 =	vld [tilespmem:s10+$0x50]  }
0x90: {  	v2 =	vadd.s32 s24, v0;
	_ =	sdelay $0x3  }
0x91: {  	v1 =	vshll.u32 v1, $0x1  }
0x92: {  	[tilespmem:v2+s7+$0x0] =	vst.idx.msk $0xffff, v1  }
0x93: {  	s25 =	sadd.s32 $0xFFFFFFA8, s9;
	v1 =	vld [tilespmem:s10+$0x60]  }
0x94: {  	v2 =	vadd.s32 s25, v0;
	_ =	sdelay $0x3  }
0x95: {  	v1 =	vshll.u32 v1, $0x1  }
0x96: {  	[tilespmem:v2+s7+$0x0] =	vst.idx.msk $0xffff, v1  }
0x97: {  	s26 =	sadd.s32 $0xFFFFFFB8, s9;
	v1 =	vld [tilespmem:s10+$0x70]  }
0x98: {  	v2 =	vadd.s32 s26, v0;
	_ =	sdelay $0x3  }
0x99: {  	v1 =	vshll.u32 v1, $0x1  }
0x9a: {  	[tilespmem:v2+s7+$0x0] =	vst.idx.msk $0xffff, v1  }
0x9b: {  	s28 =	sadd.s32 $0xFFFFFFC8, s9;
	v1 =	vld [tilespmem:s10+$0x400]  }
0x9c: {  	v2 =	vadd.s32 s28, v0;
	_ =	sdelay $0x3  }
0x9d: {  	v1 =	vshll.u32 v1, $0x1  }
0x9e: {  	[tilespmem:v2+s7+$0x0] =	vst.idx.msk $0xffff, v1  }
0x9f: {  	s29 =	sadd.s32 $0xFFFFFFD8, s9;
	v1 =	vld [tilespmem:s10+$0x410]  }
0xa0: {  	v2 =	vadd.s32 s29, v0;
	_ =	sdelay $0x3  }
0xa1: {  	v1 =	vshll.u32 v1, $0x1  }
0xa2: {  	[tilespmem:v2+s7+$0x0] =	vst.idx.msk $0xffff, v1  }
0xa3: {  	s30 =	sadd.s32 $0xFFFFFFE8, s9;
	v1 =	vld [tilespmem:s10+$0x420]  }
0xa4: {  	v2 =	vadd.s32 s30, v0;
	_ =	sdelay $0x3  }
0xa5: {  	v1 =	vshll.u32 v1, $0x1  }
0xa6: {  	[tilespmem:v2+s7+$0x0] =	vst.idx.msk $0xffff, v1  }
0xa7: {  	s31 =	sadd.s32 $0xFFFFFFF8, s9;
	v1 =	vld [tilespmem:s10+$0x430]  }
0xa8: {  	v2 =	vadd.s32 s31, v0;
	_ =	sdelay $0x3  }
0xa9: {  	v1 =	vshll.u32 v1, $0x1  }
0xaa: {  	[tilespmem:v2+s7+$0x0] =	vst.idx.msk $0xffff, v1  }
0xab: {  	v1 =	vld [tilespmem:s10+$0x438]  }
0xac: {  	v2 =	vadd.s32 s9, v0;
	_ =	sdelay $0x2  }
0xad: {  	s8 =	sadd.s32 $0x1, s8  }
0xae: {  	p0 =	sne.s32 s8, s5;
	v1 =	vshll.u32 v1, $0x1  }
.Ltmp1:
0xaf: {  	[tilespmem:v2+s7+$0x0] =	vst.idx.msk $0xffff, v1;
	(pc) =	sbr.rel @p0 .LBB2_1-.Ltmp1, $4  }
0xb0: {  	[hbm4b:s4+s2] =	stream.linear.scatter [tilespmem:s7], [sflag:$0x1], $0x6400, $0x38;
	[tilespmem:$0xE400] =	vst v63  }
0xb1: {  	_ =	swait.ge [sflag:s6], $0x6400  }
0xb2: {  	[sflag:s6] =	ssyncset.done $0x0  }
0xb3: {  	[sflag:s6] =	ssyncadd.s32 $0xFFFF9C00  }
0xb4: {  	_ =	sfence.sel $0x180000  }
0xb5: {  	[bflag:$0x0] =	sbarrier.arrive $0xFFFF  }
0xb6: {  	p0 =	sne.s32 s0, $0x0;
	_ =	strace $0x90000047  }
0xb7: {  	s0 =	sadd.s32 @!p0 $0x100000, s1;
	[bflag:$0x2] =	sbarrier.arrive $0xFFFF  }
0xb8: {  	[sflag:s0] =	ssyncadd.tile.s32 @!p0 $0x1;
	_ =	shalt  }
.Lfunc_end2:
_tile_overlayer_lowered:
.L_overlay_start_2:
0xb9: {  	(tag) =	ssettag $0x2  }
0xba: {  	s0 =	rddreg [dreg:$0x0];
	s2 =	stileid.u32  }
0xbb: {  	s1 =	rddreg [dreg:$0x1];
	p0 =	sne.s32 s2, $0x0  }
0xbc: {  	s3 =	rddreg [dreg:$0x2];
	[bflag:$0x3] =	sbarrier.arrive $0xFFFF;
	s2 =	simm.s32 @!p0 $0x1C01  }
0xbd: {  	[timem:s3], [sflag:s2] =	dma.local @!p0 [hbm:s0], s1  }
0xbe: {  	s0 =	simm.s32 @!p0 $0x1  }
0xbf: {  	_ =	swait.ge @!p0 [sflag:s0], s1  }
0xc0: {  	s1 =	ssub.s32 @!p0 $0x0, s1;
	[sflag:s0] =	ssyncset.done @!p0 $0x0  }
0xc1: {  	[sflag:s0] =	ssyncadd.s32 @!p0 s1  }
0xc2: {  	[bflag:$0x3] =	sbarrier.arrive $0xFFFF  }
0xc3: {  	_ =	shalt  }

// kernel: kernel.15.cloned.1.call-start
scs
__scs_entry_jumppad:
0x0: {  	(pc) =	sbr.rel $0x88, $3  }
0x1: {  	(tag) =	ssettag $0x0;
	lr =	simm.s32 $0x1  }
0x2: {  	[smem:$0x3F9D] =	sst lr;
	_ =	strace $0xD0000000  }
0x3: {  	_ = 	snop  }
0x4: {  	_ = 	snop  }
0x5: {  	_ = 	snop  }
0x6: {  	_ = 	snop  }
0x7: {  	_ = 	snop  }
__scs_overlays_trampoline_lowered:
0x8: {  	[smem:$0x3FAC] =	sst s0  }
0x9: {  	[smem:$0x3FAD] =	sst s1  }
0xa: {  	[smem:$0x3FAE] =	sst s2  }
0xb: {  	[smem:$0x3FAF] =	sst s3  }
0xc: {  	[smem:$0x3FB0] =	sst s4  }
0xd: {  	[smem:$0x3FB1] =	sst s5  }
0xe: {  	[smem:$0x3FB2] =	sst s6  }
0xf: {  	[smem:$0x3FB3] =	sst s7  }
0x10: {  	[smem:$0x3FB4] =	sst s8  }
0x11: {  	[smem:$0x3FB5] =	sst s9;
	s0 =	simm.s32 @!p0 $0x0  }
0x12: {  	s1 =	sld [smem:$0x3F9B];
	s0 =	simm.s32 @p0 $0x1  }
0x13: {  	[smem:$0x3FB6] =	sst s0;
	s0 =	simm.s32 @!p1 $0x0  }
0x14: {  	s2 =	sld [smem:$0x3F9A];
	s0 =	simm.s32 @p1 $0x1  }
0x15: {  	[smem:$0x3FB7] =	sst s0;
	s0 =	simm.s32 @!p2 $0x0  }
0x16: {  	s3 =	sld [smem:$0x3FDB];
	s0 =	simm.s32 @p2 $0x1  }
0x17: {  	s4 =	simm.s32 $0x1BF5;
	[smem:$0x3FB9] =	sst s0  }
0x18: {  	s0 =	sld [smem:$0x3F9C];
	_ =	swait.ge [sflag:s4], $0x0  }
0x19: {  	s7 =	sld [smem:$0x3F9D]  }
0x1a: {  	s8 =	sadd.s32 $0xFFFFE003, lr  }
0x1b: {  	s9 =	sadd.s32 $0xFFFFFEF7, lr;
	s5 =	simm.s32 $0xFFFFFFFF;
	p2 =	slt.u32 s8, $0xFFFFF086  }
0x1c: {  	p1 =	slt.u32 s9, $0xF7A;
	s5 =	simm.s32 @!p2 $0x0  }
0x1d: {  	s5 =	simm.s32 @p1 $0x1;
	p0 =	seq.s32 s7, s2  }
0x1e: {  	s7 =	smul.u32 @!p0 $0xF7A, s2;
	p2 =	seq.s32 @!p0 s5, $0x0  }
0x1f: {  	s9 =	smul.u32 $0xF7A, s1;
	s8 =	simm.s32 @!p0 $0x1BF5;
	p2 =	por !p2, p0  }
0x20: {  	[sflag:s8] =	ssyncset.s32 @!p0 $0xFFFFF086;
	s6 =	sadd.s32 @!p0 s3, s7;
	s7 =	simm.s32 @!p0 $0x108  }
0x21: {  	s3 =	sadd.s32 s3, s9;
	s6 =	sadd.s32 @!p0 $0x88, s6;
	s7 =	simm.s32 @p2 $0x1082  }
0x22: {  	[simem:s7], [sflag:s8] =	dma.local @!p0 [hbm:s6], $0xF7A  }
0x23: {  	s9 =	sor.u32 $0xD0000000, s2;
	s6 =	simm.s32 $0x108;
	_ =	swait.ge @!p0 [sflag:s8], $0x0  }
0x24: {  	s3 =	sadd.s32 $0x88, s3;
	s6 =	simm.s32 @!p1 $0x1082;
	[sflag:s4] =	ssyncset.s32 $0xFFFFF086  }
0x25: {  	[simem:s6], [sflag:s4] =	dma.local [hbm:s3], $0xF7A  }
0x26: {  	[smem:$0x3F9D] =	sst s1;
	(tag) =	ssettag s2;
	_ =	strace s9  }
0x27: {  	s1 =	sld [smem:$0x3FAD]  }
0x28: {  	s2 =	sld [smem:$0x3FAE]  }
0x29: {  	s4 =	sld [smem:$0x3FB0]  }
0x2a: {  	p0 =	seq.s32 s5, $0x0;
	s5 =	sld [smem:$0x3FB1]  }
0x2b: {  	s6 =	sld [smem:$0x3FB2]  }
0x2c: {  	s7 =	sld [smem:$0x3FB3]  }
0x2d: {  	s3 =	simm.s32 $0x108;
	s8 =	sld [smem:$0x3FB4]  }
0x2e: {  	s3 =	simm.s32 @!p0 $0x1082;
	s9 =	sld [smem:$0x3FB5]  }
0x2f: {  	lr =	sadd.s32 s0, s3;
	s0 =	sld [smem:$0x3FAC]  }
0x30: {  	s3 =	sld [smem:$0x3FAF]  }
0x31: {  	[smem:$0x3FB8] =	sst s10  }
0x32: {  	s10 =	sld [smem:$0x3FB6];
	_ =	sdelay $0x3  }
0x33: {  	p0 =	seq.s32 s10, $0x1;
	s10 =	sld [smem:$0x3FB8];
	_ =	sdelay $0x3  }
0x34: {  	[smem:$0x3FB8] =	sst s10  }
0x35: {  	s10 =	sld [smem:$0x3FB7];
	_ =	sdelay $0x3  }
0x36: {  	p1 =	seq.s32 s10, $0x1;
	s10 =	sld [smem:$0x3FB8];
	_ =	sdelay $0x3  }
0x37: {  	[smem:$0x3FB8] =	sst s10  }
0x38: {  	s10 =	sld [smem:$0x3FB9]  }
0x39: {  	_ = 	snop;
	(pc) =	sbr.ind lr, $3  }
0x3a: {  	_ = 	snop  }
0x3b: {  	_ = 	snop  }
0x3c: {  	p2 =	seq.s32 s10, $0x1;
	s10 =	sld [smem:$0x3FB8]  }
0x3d: {  	_ =	shalt  }
0x3e: {  	_ =	shalt  }
0x3f: {  	_ =	shalt  }
0x40: {  	_ =	shalt  }
0x41: {  	_ =	shalt  }
0x42: {  	_ =	shalt  }
0x43: {  	_ =	shalt  }
0x44: {  	_ =	shalt  }
0x45: {  	_ =	shalt  }
0x46: {  	_ =	shalt  }
0x47: {  	_ =	shalt  }
0x48: {  	_ =	shalt  }
0x49: {  	_ =	shalt  }
0x4a: {  	_ =	shalt  }
0x4b: {  	_ =	shalt  }
0x4c: {  	_ =	shalt  }
0x4d: {  	_ =	shalt  }
0x4e: {  	_ =	shalt  }
0x4f: {  	_ =	shalt  }
0x50: {  	_ =	shalt  }
0x51: {  	_ =	shalt  }
0x52: {  	_ =	shalt  }
0x53: {  	_ =	shalt  }
0x54: {  	_ =	shalt  }
0x55: {  	_ =	shalt  }
0x56: {  	_ =	shalt  }
0x57: {  	_ =	shalt  }
0x58: {  	_ =	shalt  }
0x59: {  	_ =	shalt  }
0x5a: {  	_ =	shalt  }
0x5b: {  	_ =	shalt  }
0x5c: {  	_ =	shalt  }
0x5d: {  	_ =	shalt  }
0x5e: {  	_ =	shalt  }
0x5f: {  	_ =	shalt  }
0x60: {  	_ =	shalt  }
0x61: {  	_ =	shalt  }
0x62: {  	_ =	shalt  }
0x63: {  	_ =	shalt  }
0x64: {  	_ =	shalt  }
0x65: {  	_ =	shalt  }
0x66: {  	_ =	shalt  }
0x67: {  	_ =	shalt  }
0x68: {  	_ =	shalt  }
0x69: {  	_ =	shalt  }
0x6a: {  	_ =	shalt  }
0x6b: {  	_ =	shalt  }
0x6c: {  	_ =	shalt  }
0x6d: {  	_ =	shalt  }
0x6e: {  	_ =	shalt  }
0x6f: {  	_ =	shalt  }
0x70: {  	_ =	shalt  }
0x71: {  	_ =	shalt  }
0x72: {  	_ =	shalt  }
0x73: {  	_ =	shalt  }
0x74: {  	_ =	shalt  }
0x75: {  	_ =	shalt  }
0x76: {  	_ =	shalt  }
0x77: {  	_ =	shalt  }
0x78: {  	_ =	shalt  }
0x79: {  	_ =	shalt  }
0x7a: {  	_ =	shalt  }
0x7b: {  	_ =	shalt  }
0x7c: {  	_ =	shalt  }
0x7d: {  	_ =	shalt  }
0x7e: {  	_ =	shalt  }
0x7f: {  	_ =	shalt  }
0x80: {  	_ =	shalt  }
0x81: {  	_ =	shalt  }
0x82: {  	_ =	shalt  }
0x83: {  	_ =	shalt  }
0x84: {  	_ =	shalt  }
0x85: {  	_ =	shalt  }
0x86: {  	_ =	shalt  }
0x87: {  	_ =	shalt  }
.Lfunc_end0:
.L_simem_size_0:
called_computation.1_lowered:
.L_overlay_start_0:
0x88: {  	s2 =	sld [smem:$0x3FD9]  }
0x89: {  	s3 =	sld [smem:$0x3FFE];
	_ =	sdelay $0x1  }
0x8a: {  	s1 =	srdreg.scid  }
0x8b: {  	s0 =	sand.u32 $0x1, s1  }
0x8c: {  	s17 =	sshll.u32 s0, $0xA;
	s2 =	sadd.s32 s3, s2  }
0x8d: {  	s2 =	sadd.s32 s2, s17  }
0x8e: {  	[smem:$0x3FC4] =	sst s2  }
0x8f: {  	_ = 	snop  }
0x90: {  	s2 =	sld [smem:$0x3FD0];
	(tm) =	ssettm $0x1  }
0x91: {  	s18 =	sld [smem:$0x3FFB];
	_ =	sdelay $0x3  }
0x92: {  	_ =	strace s18  }
0x93: {  	s3 =	sld [smem:$0x3FFC];
	_ =	sdelay $0x3  }
0x94: {  	_ =	strace s3  }
0x95: {  	s3 =	sld [smem:$0x3FFD];
	_ =	sdelay $0x3  }
0x96: {  	_ =	strace s3  }
0x97: {  	_ =	strace $0x8FFFFFFF  }
0x98: {  	s19 =	sld [smem:$0x3FDB];
	_ =	sdelay $0x1  }
0x99: {  	s4 =	simm.s32 $_scs_section_size  }
0x9a: {  	s5 =	simm.s32 $_size__tile_overlayer_lowered;
	s6 =	simm.s32 $_tile_overlayer_lowered  }
0x9b: {  	s22 =	simm.s32 $0x1BFF;
	s21 =	sshll.u32 s6, $0x1;
	s3 =	sadd.s32 s4, s19  }
0x9c: {  	s7 =	simm.s32 $0x0;
	s20 =	sshll.u32 s5, $0x1;
	s5 =	sadd.s32 s21, s3  }
0x9d: {  	[timem:s7], [sflag:s22] =	dma.local [hbm:s5], s20  }
0x9e: {  	_ =	swait.ge [sflag:s22], s20  }
0x9f: {  	s4 =	ssub.s32 $0x0, s20;
	[sflag:s22] =	ssyncset.done $0x0  }
0xa0: {  	[sflag:s22] =	ssyncadd.s32 s4;
	_ =	sdelay $0x1  }
0xa1: {  	s23 =	simm.s32 $0x1B8B  }
0xa2: {  	_ =	swait.ge [sflag:s23], $0x1  }
0xa3: {  	[sflag:s23] =	ssyncset.done $0x0  }
0xa4: {  	s25 =	simm.s32 $0x1B8E;
	s24 =	sld [smem:$0x3FFE];
	[sflag:s23] =	ssyncadd.s32 $0xFFFFFFFF  }
0xa5: {  	s26 =	simm.s32 $execute0_lowered;
	[smem:$0x3FD2] =	sst s25  }
0xa6: {  	s5 =	sshll.u32 s26, $0x1;
	_ =	strace $0x80000049;
	[dreg:$0x1] =	wrdreg $0xFFFFFFFF  }
0xa7: {  	s28 =	simm.s32 $_size_execute0_lowered;
	s3 =	sadd.s32 s3, s5;
	[dreg:$0x0] =	wrdreg $0x0  }
0xa8: {  	s5 =	sshll.u32 s28, $0x1;
	[dreg:$0x2] =	wrdreg s3  }
0xa9: {  	[dreg:$0x3] =	wrdreg s5  }
0xaa: {  	[dreg:$0x4] =	wrdreg $0xC0  }
0xab: {  	_ =	task [dreg:s7], $0x5FFFF  }
0xac: {  	[dreg:$0x1] =	wrdreg $0xFFFFFFFF  }
0xad: {  	[dreg:$0x0] =	wrdreg $0x60  }
0xae: {  	[dreg:$0x2] =	wrdreg s24  }
0xaf: {  	[dreg:$0x3] =	wrdreg s2  }
0xb0: {  	[dreg:$0x4] =	wrdreg $0x9  }
0xb1: {  	_ =	task.clear_ibuf [dreg:s7], $0x5FFFF;
	_ =	strace $0x90000049  }
0xb2: {  	s29 =	simm.s32 $0x9;
	_ =	strace $0x8000004B  }
0xb3: {  	_ =	swait.ge [sflag:s29], $0x1  }
0xb4: {  	[sflag:s29] =	ssyncadd.s32 $0xFFFFFFFF  }
0xb5: {  	_ =	strace $0x9000004B  }
0xb6: {  	_ =	sfence  }
0xb7: {  	s30 =	sld [smem:$0x0];
	_ =	sdelay $0x2  }
0xb8: {  	s31 =	sshll.u32 s1, $0xD;
	s1 =	sshrl.u32 s1, $0x2  }
0xb9: {  	s3 =	sand.u32 $0x4000, s31;
	s1 =	sadd.s32 s1, s30  }
0xba: {  	s0 =	sor.u32 s3, s0;
	s1 =	sshll.u32 s1, $0x11  }
0xbb: {  	s0 =	sor.u32 s1, s0  }
0xbc: {  	s0 =	sadd.s32 $0x8F2B, s0  }
0xbd: {  	[sflag:s0] =	ssyncadd.remote.s32 $0x1  }
0xbe: {  	_ =	sfence.sel $0xFFFF  }
0xbf: {  	[dreg:$0x0] =	wrdreg $0xFFFFFFFF;
	(pc) =	sbr.abs _section_cstart, $3  }
0xc0: {  	[dreg:$0x1] =	wrdreg $0xFFFFFFFF  }
0xc1: {  	_ =	task.clear_ibuf [dreg:s7], $0x2FFFF;
	_ =	strace $0x9FFFFFFF  }
0xc2: {  	(tm) =	ssettm $0x7FFFFFFF  }
0xc3: {  	_ =	shalt  }
tec
execute0_lowered:
.L_overlay_start_1:
0x0: {  	(tag) =	ssettag $0x1  }
0x1: {  	s4 =	rddreg [dreg:$0x0]  }
0x2: {  	s5 =	rddreg [dreg:$0x1]  }
0x3: {  	s0 =	rddreg [dreg:$0x2]  }
0x4: {  	s2 =	simm.s32 $0x0;
	s1 =	stileid.u32;
	s3 =	srdreg.scid  }
0x5: {  	s12 =	simm.s32 $0x40;
	s13 =	simm.s32 $0x0;
	s6 =	smul.u32 $0x32000, s1  }
0x6: {  	[smem:$0x7FF] =	sst s2;
	s7 =	sand.u32 $0x1, s3;
	s11 =	smul.u32 $0x640, s1  }
0x7: {  	s3 =	sadd.s32 $0x1AA00, s4;
	s8 =	ssub.s32 $0x2, s7;
	s9 =	smul.u32 $0x19000, s7  }
0x8: {  	_ =	strace $0x8000004A;
	s7 =	smul.u32 $0x320, s7;
	s10 =	sshrl.u32 s8, $0x1  }
0x9: {  	s6 =	sadd.s32 s6, s4;
	s31 =	sadd.s32 s11, s5;
	s11 =	simm.s32 $0x1  }
0xa: {  	s30 =	ssub.s32 s8, s10;
	s6 =	sadd.s32 s9, s6;
	s8 =	simm.s32 $0x80  }
0xb: {  	s9 =	simm.s32 $0x100;
	s10 =	simm.s32 $0x2100;
	s4 =	smax.u32 s30, $0x1  }
0xc: {  	s5 =	sadd.s32 $0xF8D600, s6;
	s6 =	sadd.s32 s7, s31;
	s7 =	simm.s32 $0x2  }
.LBB2_1:
0xd: {  	s14 =	sadd.s32 $0x0, s6  }
0xe: {  	[tilespmem:s2], [sflag:$0x2] =	stream.linear.gather [hbm4b:s14+s2], $0x100, $0x38;
	[tilespmem:$0x4100] =	vst v63  }
0xf: {  	_ =	swait.ge [sflag:s7], $0x100  }
0x10: {  	[sflag:s7] =	ssyncset.done $0x0  }
0x11: {  	[sflag:s7] =	ssyncadd.s32 $0xFFFFFF00  }
0x12: {  	[tilespmem:s9], [sflag:$0x1] =	stream.indirect.gather [hbm4b:s3+s8], $0x40, s2, s8, $0xb8;
	[tilespmem:$0x4100] =	vst v63  }
0x13: {  	_ = 	snop  }
0x14: {  	[tilespmem:s10], [sflag:$0x1] =	stream.indirect.gather [hbm4b:s3+s8], $0x40, s8, s8, $0xb8;
	[tilespmem:$0x4100] =	vst v63  }
0x15: {  	_ =	swait.ge [sflag:s11], $0x2000  }
0x16: {  	[sflag:s11] =	ssyncset.done $0x0  }
0x17: {  	[sflag:s11] =	ssyncadd.s32 $0xFFFFE000  }
0x18: {  	_ =	swait.ge [sflag:s11], $0x2000  }
0x19: {  	[sflag:s11] =	ssyncset.done $0x0  }
0x1a: {  	[sflag:s11] =	ssyncadd.s32 $0xFFFFE000  }
0x1b: {  	[hbm4b:s5+s12] =	stream.strided.scatter [tilespmem:s9], [sflag:$0x2], $0x4000, s8, s12, $0x38;
	[tilespmem:$0x4100] =	vst v63  }
0x1c: {  	s15 =	simm.s32 $0x20;
	_ =	swait.ge [sflag:s7], $0x4000  }
0x1d: {  	s16 =	simm.s32 $0x40;
	s14 =	sadd.s32 $0x1000, s5;
	[sflag:s7] =	ssyncset.done $0x0  }
.LBB2_2:
0x1e: {  	s17 =	sadd.s32 s15, s6  }
0x1f: {  	[sflag:s7] =	ssyncadd.s32 $0xFFFFC000;
	s15 =	smov.u32 s16;
	s18 =	sadd.s32 $0x20, s16  }
0x20: {  	[tilespmem:s2], [sflag:$0x2] =	stream.linear.gather [hbm4b:s17+s2], $0x100, $0x38;
	[tilespmem:$0x4100] =	vst v63  }
0x21: {  	p0 =	sne.s32 s16, $0x300;
	_ =	swait.ge [sflag:s7], $0x100  }
0x22: {  	[sflag:s7] =	ssyncset.done $0x0  }
0x23: {  	[sflag:s7] =	ssyncadd.s32 $0xFFFFFF00  }
0x24: {  	[tilespmem:s9], [sflag:$0x1] =	stream.indirect.gather [hbm4b:s3+s8], $0x40, s2, s8, $0xb8;
	[tilespmem:$0x4100] =	vst v63  }
0x25: {  	_ = 	snop  }
0x26: {  	[tilespmem:s10], [sflag:$0x1] =	stream.indirect.gather [hbm4b:s3+s8], $0x40, s8, s8, $0xb8;
	[tilespmem:$0x4100] =	vst v63  }
0x27: {  	_ =	swait.ge [sflag:s11], $0x2000  }
0x28: {  	[sflag:s11] =	ssyncset.done $0x0  }
0x29: {  	[sflag:s11] =	ssyncadd.s32 $0xFFFFE000  }
0x2a: {  	_ =	swait.ge [sflag:s11], $0x2000  }
.Ltmp0:
0x2b: {  	[sflag:s11] =	ssyncset.done $0x0;
	(pc) =	sbr.rel @p0 .LBB2_2-.Ltmp0, $4  }
0x2c: {  	[sflag:s11] =	ssyncadd.s32 $0xFFFFE000  }
0x2d: {  	[hbm4b:s14+s12] =	stream.strided.scatter [tilespmem:s9], [sflag:$0x2], $0x4000, s8, s12, $0x38;
	[tilespmem:$0x4100] =	vst v63  }
0x2e: {  	_ =	swait.ge [sflag:s7], $0x4000  }
0x2f: {  	s16 =	smov.u32 s18;
	s14 =	sadd.s32 $0x1000, s14;
	[sflag:s7] =	ssyncset.done $0x0  }
0x30: {  	s15 =	sadd.s32 s15, s6;
	[sflag:s7] =	ssyncadd.s32 $0xFFFFC000  }
0x31: {  	[tilespmem:s2], [sflag:$0x2] =	stream.linear.gather [hbm4b:s15+s2], $0x100, $0x38;
	[tilespmem:$0x4100] =	vst v63  }
0x32: {  	_ =	swait.ge [sflag:s7], $0x100  }
0x33: {  	[sflag:s7] =	ssyncset.done $0x0  }
0x34: {  	[sflag:s7] =	ssyncadd.s32 $0xFFFFFF00  }
0x35: {  	[tilespmem:s9], [sflag:$0x1] =	stream.indirect.gather [hbm4b:s3+s8], $0x40, s2, s8, $0xb8;
	[tilespmem:$0x4100] =	vst v63  }
0x36: {  	_ = 	snop  }
0x37: {  	[tilespmem:s10], [sflag:$0x1] =	stream.indirect.gather [hbm4b:s3+s8], $0x40, s8, s8, $0xb8;
	[tilespmem:$0x4100] =	vst v63  }
0x38: {  	_ =	swait.ge [sflag:s11], $0x2000  }
0x39: {  	[sflag:s11] =	ssyncset.done $0x0  }
0x3a: {  	[sflag:s11] =	ssyncadd.s32 $0xFFFFE000  }
0x3b: {  	s13 =	sadd.s32 $0x1, s13;
	_ =	swait.ge [sflag:s11], $0x2000  }
0x3c: {  	p0 =	sne.s32 s13, s4;
	[sflag:s11] =	ssyncset.done $0x0  }
.Ltmp1:
0x3d: {  	[sflag:s11] =	ssyncadd.s32 $0xFFFFE000;
	(pc) =	sbr.rel @p0 .LBB2_1-.Ltmp1, $4  }
0x3e: {  	[hbm4b:s14+s12] =	stream.strided.scatter [tilespmem:s9], [sflag:$0x2], $0x4000, s8, s12, $0x38;
	[tilespmem:$0x4100] =	vst v63  }
0x3f: {  	_ =	swait.ge [sflag:s7], $0x4000  }
0x40: {  	[sflag:s7] =	ssyncset.done $0x0  }
0x41: {  	[sflag:s7] =	ssyncadd.s32 $0xFFFFC000  }
0x42: {  	_ =	sfence.sel $0x180000  }
0x43: {  	[bflag:$0x0] =	sbarrier.arrive $0xFFFF  }
0x44: {  	p0 =	sne.s32 s1, $0x0;
	_ =	strace $0x9000004A  }
0x45: {  	s0 =	sadd.s32 @!p0 $0x100000, s0;
	[bflag:$0x2] =	sbarrier.arrive $0xFFFF  }
0x46: {  	[sflag:s0] =	ssyncadd.tile.s32 @!p0 $0x1;
	_ =	shalt  }
.Lfunc_end2:
_tile_overlayer_lowered:
.L_overlay_start_2:
0x47: {  	(tag) =	ssettag $0x2  }
0x48: {  	s0 =	rddreg [dreg:$0x0];
	s2 =	stileid.u32  }
0x49: {  	s1 =	rddreg [dreg:$0x1];
	p0 =	sne.s32 s2, $0x0  }
0x4a: {  	s3 =	rddreg [dreg:$0x2];
	[bflag:$0x3] =	sbarrier.arrive $0xFFFF;
	s2 =	simm.s32 @!p0 $0x1C02  }
0x4b: {  	[timem:s3], [sflag:s2] =	dma.local @!p0 [hbm:s0], s1  }
0x4c: {  	s0 =	simm.s32 @!p0 $0x2  }
0x4d: {  	_ =	swait.ge @!p0 [sflag:s0], s1  }
0x4e: {  	s1 =	ssub.s32 @!p0 $0x0, s1;
	[sflag:s0] =	ssyncset.done @!p0 $0x0  }
0x4f: {  	[sflag:s0] =	ssyncadd.s32 @!p0 s1  }
0x50: {  	[bflag:$0x3] =	sbarrier.arrive $0xFFFF  }
0x51: {  	_ =	shalt  }

// kernel: kernel.18.cloned.1.call-start
scs
__scs_entry_jumppad:
0x0: {  	(pc) =	sbr.rel $0x88, $3  }
0x1: {  	(tag) =	ssettag $0x0;
	lr =	simm.s32 $0x1  }
0x2: {  	[smem:$0x3F9D] =	sst lr;
	_ =	strace $0xD0000000  }
0x3: {  	_ = 	snop  }
0x4: {  	_ = 	snop  }
0x5: {  	_ = 	snop  }
0x6: {  	_ = 	snop  }
0x7: {  	_ = 	snop  }
__scs_overlays_trampoline_lowered:
0x8: {  	[smem:$0x3FAC] =	sst s0  }
0x9: {  	[smem:$0x3FAD] =	sst s1  }
0xa: {  	[smem:$0x3FAE] =	sst s2  }
0xb: {  	[smem:$0x3FAF] =	sst s3  }
0xc: {  	[smem:$0x3FB0] =	sst s4  }
0xd: {  	[smem:$0x3FB1] =	sst s5  }
0xe: {  	[smem:$0x3FB2] =	sst s6  }
0xf: {  	[smem:$0x3FB3] =	sst s7  }
0x10: {  	[smem:$0x3FB4] =	sst s8  }
0x11: {  	[smem:$0x3FB5] =	sst s9;
	s0 =	simm.s32 @!p0 $0x0  }
0x12: {  	s1 =	sld [smem:$0x3F9B];
	s0 =	simm.s32 @p0 $0x1  }
0x13: {  	[smem:$0x3FB6] =	sst s0;
	s0 =	simm.s32 @!p1 $0x0  }
0x14: {  	s2 =	sld [smem:$0x3F9A];
	s0 =	simm.s32 @p1 $0x1  }
0x15: {  	[smem:$0x3FB7] =	sst s0;
	s0 =	simm.s32 @!p2 $0x0  }
0x16: {  	s3 =	sld [smem:$0x3FDB];
	s0 =	simm.s32 @p2 $0x1  }
0x17: {  	s4 =	simm.s32 $0x1BF5;
	[smem:$0x3FB9] =	sst s0  }
0x18: {  	s0 =	sld [smem:$0x3F9C];
	_ =	swait.ge [sflag:s4], $0x0  }
0x19: {  	s7 =	sld [smem:$0x3F9D]  }
0x1a: {  	s8 =	sadd.s32 $0xFFFFE003, lr  }
0x1b: {  	s9 =	sadd.s32 $0xFFFFFEF7, lr;
	s5 =	simm.s32 $0xFFFFFFFF;
	p2 =	slt.u32 s8, $0xFFFFF086  }
0x1c: {  	p1 =	slt.u32 s9, $0xF7A;
	s5 =	simm.s32 @!p2 $0x0  }
0x1d: {  	s5 =	simm.s32 @p1 $0x1;
	p0 =	seq.s32 s7, s2  }
0x1e: {  	s7 =	smul.u32 @!p0 $0xF7A, s2;
	p2 =	seq.s32 @!p0 s5, $0x0  }
0x1f: {  	s9 =	smul.u32 $0xF7A, s1;
	s8 =	simm.s32 @!p0 $0x1BF5;
	p2 =	por !p2, p0  }
0x20: {  	[sflag:s8] =	ssyncset.s32 @!p0 $0xFFFFF086;
	s6 =	sadd.s32 @!p0 s3, s7;
	s7 =	simm.s32 @!p0 $0x108  }
0x21: {  	s3 =	sadd.s32 s3, s9;
	s6 =	sadd.s32 @!p0 $0x88, s6;
	s7 =	simm.s32 @p2 $0x1082  }
0x22: {  	[simem:s7], [sflag:s8] =	dma.local @!p0 [hbm:s6], $0xF7A  }
0x23: {  	s9 =	sor.u32 $0xD0000000, s2;
	s6 =	simm.s32 $0x108;
	_ =	swait.ge @!p0 [sflag:s8], $0x0  }
0x24: {  	s3 =	sadd.s32 $0x88, s3;
	s6 =	simm.s32 @!p1 $0x1082;
	[sflag:s4] =	ssyncset.s32 $0xFFFFF086  }
0x25: {  	[simem:s6], [sflag:s4] =	dma.local [hbm:s3], $0xF7A  }
0x26: {  	[smem:$0x3F9D] =	sst s1;
	(tag) =	ssettag s2;
	_ =	strace s9  }
0x27: {  	s1 =	sld [smem:$0x3FAD]  }
0x28: {  	s2 =	sld [smem:$0x3FAE]  }
0x29: {  	s4 =	sld [smem:$0x3FB0]  }
0x2a: {  	p0 =	seq.s32 s5, $0x0;
	s5 =	sld [smem:$0x3FB1]  }
0x2b: {  	s6 =	sld [smem:$0x3FB2]  }
0x2c: {  	s7 =	sld [smem:$0x3FB3]  }
0x2d: {  	s3 =	simm.s32 $0x108;
	s8 =	sld [smem:$0x3FB4]  }
0x2e: {  	s3 =	simm.s32 @!p0 $0x1082;
	s9 =	sld [smem:$0x3FB5]  }
0x2f: {  	lr =	sadd.s32 s0, s3;
	s0 =	sld [smem:$0x3FAC]  }
0x30: {  	s3 =	sld [smem:$0x3FAF]  }
0x31: {  	[smem:$0x3FB8] =	sst s10  }
0x32: {  	s10 =	sld [smem:$0x3FB6];
	_ =	sdelay $0x3  }
0x33: {  	p0 =	seq.s32 s10, $0x1;
	s10 =	sld [smem:$0x3FB8];
	_ =	sdelay $0x3  }
0x34: {  	[smem:$0x3FB8] =	sst s10  }
0x35: {  	s10 =	sld [smem:$0x3FB7];
	_ =	sdelay $0x3  }
0x36: {  	p1 =	seq.s32 s10, $0x1;
	s10 =	sld [smem:$0x3FB8];
	_ =	sdelay $0x3  }
0x37: {  	[smem:$0x3FB8] =	sst s10  }
0x38: {  	s10 =	sld [smem:$0x3FB9]  }
0x39: {  	_ = 	snop;
	(pc) =	sbr.ind lr, $3  }
0x3a: {  	_ = 	snop  }
0x3b: {  	_ = 	snop  }
0x3c: {  	p2 =	seq.s32 s10, $0x1;
	s10 =	sld [smem:$0x3FB8]  }
0x3d: {  	_ =	shalt  }
0x3e: {  	_ =	shalt  }
0x3f: {  	_ =	shalt  }
0x40: {  	_ =	shalt  }
0x41: {  	_ =	shalt  }
0x42: {  	_ =	shalt  }
0x43: {  	_ =	shalt  }
0x44: {  	_ =	shalt  }
0x45: {  	_ =	shalt  }
0x46: {  	_ =	shalt  }
0x47: {  	_ =	shalt  }
0x48: {  	_ =	shalt  }
0x49: {  	_ =	shalt  }
0x4a: {  	_ =	shalt  }
0x4b: {  	_ =	shalt  }
0x4c: {  	_ =	shalt  }
0x4d: {  	_ =	shalt  }
0x4e: {  	_ =	shalt  }
0x4f: {  	_ =	shalt  }
0x50: {  	_ =	shalt  }
0x51: {  	_ =	shalt  }
0x52: {  	_ =	shalt  }
0x53: {  	_ =	shalt  }
0x54: {  	_ =	shalt  }
0x55: {  	_ =	shalt  }
0x56: {  	_ =	shalt  }
0x57: {  	_ =	shalt  }
0x58: {  	_ =	shalt  }
0x59: {  	_ =	shalt  }
0x5a: {  	_ =	shalt  }
0x5b: {  	_ =	shalt  }
0x5c: {  	_ =	shalt  }
0x5d: {  	_ =	shalt  }
0x5e: {  	_ =	shalt  }
0x5f: {  	_ =	shalt  }
0x60: {  	_ =	shalt  }
0x61: {  	_ =	shalt  }
0x62: {  	_ =	shalt  }
0x63: {  	_ =	shalt  }
0x64: {  	_ =	shalt  }
0x65: {  	_ =	shalt  }
0x66: {  	_ =	shalt  }
0x67: {  	_ =	shalt  }
0x68: {  	_ =	shalt  }
0x69: {  	_ =	shalt  }
0x6a: {  	_ =	shalt  }
0x6b: {  	_ =	shalt  }
0x6c: {  	_ =	shalt  }
0x6d: {  	_ =	shalt  }
0x6e: {  	_ =	shalt  }
0x6f: {  	_ =	shalt  }
0x70: {  	_ =	shalt  }
0x71: {  	_ =	shalt  }
0x72: {  	_ =	shalt  }
0x73: {  	_ =	shalt  }
0x74: {  	_ =	shalt  }
0x75: {  	_ =	shalt  }
0x76: {  	_ =	shalt  }
0x77: {  	_ =	shalt  }
0x78: {  	_ =	shalt  }
0x79: {  	_ =	shalt  }
0x7a: {  	_ =	shalt  }
0x7b: {  	_ =	shalt  }
0x7c: {  	_ =	shalt  }
0x7d: {  	_ =	shalt  }
0x7e: {  	_ =	shalt  }
0x7f: {  	_ =	shalt  }
0x80: {  	_ =	shalt  }
0x81: {  	_ =	shalt  }
0x82: {  	_ =	shalt  }
0x83: {  	_ =	shalt  }
0x84: {  	_ =	shalt  }
0x85: {  	_ =	shalt  }
0x86: {  	_ =	shalt  }
0x87: {  	_ =	shalt  }
.Lfunc_end0:
.L_simem_size_0:
called_computation.2_lowered:
.L_overlay_start_0:
0x88: {  	s2 =	sld [smem:$0x3FD9]  }
0x89: {  	s3 =	sld [smem:$0x3FFE];
	_ =	sdelay $0x1  }
0x8a: {  	s1 =	srdreg.scid  }
0x8b: {  	s0 =	sand.u32 $0x1, s1  }
0x8c: {  	s17 =	sshll.u32 s0, $0xA;
	s2 =	sadd.s32 s3, s2  }
0x8d: {  	s2 =	sadd.s32 s2, s17  }
0x8e: {  	[smem:$0x3FC4] =	sst s2  }
0x8f: {  	_ = 	snop  }
0x90: {  	(tm) =	ssettm $0x1  }
0x91: {  	s18 =	sld [smem:$0x3FFB];
	_ =	sdelay $0x3  }
0x92: {  	_ =	strace s18  }
0x93: {  	s2 =	sld [smem:$0x3FFC];
	_ =	sdelay $0x3  }
0x94: {  	_ =	strace s2  }
0x95: {  	s2 =	sld [smem:$0x3FFD];
	_ =	sdelay $0x3  }
0x96: {  	_ =	strace s2  }
0x97: {  	_ =	strace $0x8FFFFFFF  }
0x98: {  	s19 =	sld [smem:$0x3FDB];
	_ =	sdelay $0x1  }
0x99: {  	s20 =	simm.s32 $_scs_section_size  }
0x9a: {  	s4 =	simm.s32 $_size__tile_overlayer_lowered;
	s5 =	simm.s32 $_tile_overlayer_lowered  }
0x9b: {  	s6 =	simm.s32 $0x1BFF;
	s21 =	sshll.u32 s5, $0x1;
	s3 =	sadd.s32 s20, s19  }
0x9c: {  	s22 =	simm.s32 $0x0;
	s4 =	sshll.u32 s4, $0x1;
	s5 =	sadd.s32 s21, s3  }
0x9d: {  	[timem:s22], [sflag:s6] =	dma.local [hbm:s5], s4  }
0x9e: {  	_ =	swait.ge [sflag:s6], s4  }
0x9f: {  	s4 =	ssub.s32 $0x0, s4;
	[sflag:s6] =	ssyncset.done $0x0  }
0xa0: {  	[sflag:s6] =	ssyncadd.s32 s4;
	_ =	sdelay $0x1  }
0xa1: {  	s23 =	simm.s32 $0x1B8B  }
0xa2: {  	_ =	swait.ge [sflag:s23], $0x1  }
0xa3: {  	[sflag:s23] =	ssyncset.done $0x0  }
0xa4: {  	[sflag:s23] =	ssyncadd.s32 $0xFFFFFFFF  }
0xa5: {  	s4 =	sld [smem:$0x0]  }
0xa6: {  	s5 =	sand.u32 $0xFFFFFFFE, s1  }
0xa7: {  	p0 =	sne.s32 s1, s5  }
0xa8: {  	s5 =	sshll.u32 @p0 s5, $0xE  }
0xa9: {  	s5 =	sadd.s32 @p0 $0x11B8D, s5;
	s6 =	sshll.u32 @p0 s4, $0x11  }
0xaa: {  	s5 =	sor.u32 @p0 s6, s5  }
0xab: {  	[sflag:s5] =	ssyncadd.remote.s32 @p0 $0x1;
	_ =	sdelay $0x1  }
0xac: {  	s5 =	simm.s32 @p0 $0x1B8D  }
0xad: {  	_ =	swait.eq @p0 [sflag:s5], $0x1  }
0xae: {  	[sflag:s5] =	ssyncadd.s32 @p0 $0xFFFFFFFF  }
0xaf: {  	s6 =	sshll.u32 @!p0 s1, $0xE  }
0xb0: {  	s6 =	sor.u32 @!p0 $0x4000, s6;
	s5 =	simm.s32 @!p0 $0x1B8D  }
0xb1: {  	s4 =	sshll.u32 @!p0 s4, $0x11;
	s6 =	sadd.s32 @!p0 $0x11B8D, s6;
	_ =	swait.eq @!p0 [sflag:s5], $0x1  }
0xb2: {  	s4 =	sor.u32 @!p0 s4, s6;
	[sflag:s5] =	ssyncadd.s32 @!p0 $0xFFFFFFFF  }
0xb3: {  	s25 =	simm.s32 $0x1B8E;
	s24 =	sld [smem:$0x3FFE];
	[sflag:s4] =	ssyncadd.remote.s32 @!p0 $0x1  }
0xb4: {  	s26 =	simm.s32 $execute0_lowered;
	[smem:$0x3FD2] =	sst s25  }
0xb5: {  	s5 =	sshll.u32 s26, $0x1;
	_ =	strace $0x8000004C;
	[dreg:$0x1] =	wrdreg $0xFFFFFFFF  }
0xb6: {  	s28 =	simm.s32 $_size_execute0_lowered;
	s3 =	sadd.s32 s3, s5;
	[dreg:$0x0] =	wrdreg $0x0  }
0xb7: {  	s5 =	sshll.u32 s28, $0x1;
	[dreg:$0x2] =	wrdreg s3  }
0xb8: {  	[dreg:$0x3] =	wrdreg s5  }
0xb9: {  	[dreg:$0x4] =	wrdreg $0xC0  }
0xba: {  	_ =	task [dreg:s22], $0x5FFFF  }
0xbb: {  	[dreg:$0x1] =	wrdreg $0xFFFFFFFF  }
0xbc: {  	[dreg:$0x0] =	wrdreg $0x60  }
0xbd: {  	[dreg:$0x2] =	wrdreg s24  }
0xbe: {  	[dreg:$0x3] =	wrdreg $0xA  }
0xbf: {  	_ =	task.clear_ibuf [dreg:s22], $0x4FFFF;
	_ =	strace $0x9000004C  }
0xc0: {  	s29 =	simm.s32 $0xA;
	_ =	strace $0x8000004E  }
0xc1: {  	_ =	swait.ge [sflag:s29], $0x1  }
0xc2: {  	[sflag:s29] =	ssyncadd.s32 $0xFFFFFFFF  }
0xc3: {  	_ =	strace $0x9000004E  }
0xc4: {  	_ =	sfence  }
0xc5: {  	s30 =	sld [smem:$0x0];
	_ =	sdelay $0x2  }
0xc6: {  	s31 =	sshll.u32 s1, $0xD;
	s1 =	sshrl.u32 s1, $0x2  }
0xc7: {  	s4 =	sand.u32 $0x4000, s31;
	s1 =	sadd.s32 s1, s30  }
0xc8: {  	s0 =	sor.u32 s4, s0;
	s1 =	sshll.u32 s1, $0x11  }
0xc9: {  	s0 =	sor.u32 s1, s0  }
0xca: {  	s0 =	sadd.s32 $0x8F2B, s0  }
0xcb: {  	[sflag:s0] =	ssyncadd.remote.s32 $0x1  }
0xcc: {  	_ =	sfence.sel $0xFFFF  }
0xcd: {  	[dreg:$0x0] =	wrdreg $0xFFFFFFFF;
	(pc) =	sbr.abs _section_cstart, $3  }
0xce: {  	[dreg:$0x1] =	wrdreg $0xFFFFFFFF  }
0xcf: {  	_ =	task.clear_ibuf [dreg:s22], $0x2FFFF;
	_ =	strace $0x9FFFFFFF  }
0xd0: {  	(tm) =	ssettm $0x7FFFFFFF  }
0xd1: {  	_ =	shalt  }
tec
execute0_lowered:
.L_overlay_start_1:
0x0: {  	(tag) =	ssettag $0x1  }
0x1: {  	s4 =	rddreg [dreg:$0x0]  }
0x2: {  	s0 =	rddreg [dreg:$0x1];
	s1 =	stileid.u32  }
0x3: {  	s2 =	simm.s32 $0x0;
	s3 =	srdreg.scid;
	s11 =	simm.s32 $0x1  }
0x4: {  	s12 =	simm.s32 $0x40;
	s13 =	simm.s32 $0x0;
	s5 =	smul.u32 $0x640, s1  }
0x5: {  	[smem:$0x7FF] =	sst s2;
	s6 =	smul.u32 $0x32000, s1;
	s7 =	sand.u32 $0x1, s3  }
0x6: {  	s3 =	sadd.s32 $0x1AA00, s4;
	s8 =	ssub.s32 $0x2, s7;
	s9 =	smul.u32 $0x19000, s7  }
0x7: {  	_ =	strace $0x8000004D;
	s7 =	smul.u32 $0x320, s7;
	s10 =	sshrl.u32 s8, $0x1  }
0x8: {  	s5 =	sadd.s32 s5, s4;
	s6 =	sadd.s32 s6, s4;
	s31 =	ssub.s32 s8, s10  }
0x9: {  	s6 =	sadd.s32 s9, s6;
	s7 =	sadd.s32 s7, s5;
	s8 =	simm.s32 $0x80  }
0xa: {  	s9 =	simm.s32 $0x100;
	s10 =	simm.s32 $0x2100;
	s4 =	smax.u32 s31, $0x1  }
0xb: {  	s5 =	sadd.s32 $0x12AD600, s6;
	s6 =	sadd.s32 $0xF7AA00, s7;
	s7 =	simm.s32 $0x2  }
.LBB2_1:
0xc: {  	s14 =	sadd.s32 $0x0, s6  }
0xd: {  	[tilespmem:s2], [sflag:$0x2] =	stream.linear.gather [hbm4b:s14+s2], $0x100, $0x38;
	[tilespmem:$0x4100] =	vst v63  }
0xe: {  	_ =	swait.ge [sflag:s7], $0x100  }
0xf: {  	[sflag:s7] =	ssyncset.done $0x0  }
0x10: {  	[sflag:s7] =	ssyncadd.s32 $0xFFFFFF00  }
0x11: {  	[tilespmem:s9], [sflag:$0x1] =	stream.indirect.gather [hbm4b:s3+s8], $0x40, s2, s8, $0xb8;
	[tilespmem:$0x4100] =	vst v63  }
0x12: {  	_ = 	snop  }
0x13: {  	[tilespmem:s10], [sflag:$0x1] =	stream.indirect.gather [hbm4b:s3+s8], $0x40, s8, s8, $0xb8;
	[tilespmem:$0x4100] =	vst v63  }
0x14: {  	_ =	swait.ge [sflag:s11], $0x2000  }
0x15: {  	[sflag:s11] =	ssyncset.done $0x0  }
0x16: {  	[sflag:s11] =	ssyncadd.s32 $0xFFFFE000  }
0x17: {  	_ =	swait.ge [sflag:s11], $0x2000  }
0x18: {  	[sflag:s11] =	ssyncset.done $0x0  }
0x19: {  	[sflag:s11] =	ssyncadd.s32 $0xFFFFE000  }
0x1a: {  	[hbm4b:s5+s12] =	stream.strided.scatter [tilespmem:s9], [sflag:$0x2], $0x4000, s8, s12, $0x38;
	[tilespmem:$0x4100] =	vst v63  }
0x1b: {  	s15 =	simm.s32 $0x20;
	_ =	swait.ge [sflag:s7], $0x4000  }
0x1c: {  	s16 =	simm.s32 $0x40;
	s14 =	sadd.s32 $0x1000, s5;
	[sflag:s7] =	ssyncset.done $0x0  }
.LBB2_2:
0x1d: {  	s17 =	sadd.s32 s15, s6  }
0x1e: {  	[sflag:s7] =	ssyncadd.s32 $0xFFFFC000;
	s15 =	smov.u32 s16;
	s18 =	sadd.s32 $0x20, s16  }
0x1f: {  	[tilespmem:s2], [sflag:$0x2] =	stream.linear.gather [hbm4b:s17+s2], $0x100, $0x38;
	[tilespmem:$0x4100] =	vst v63  }
0x20: {  	p0 =	sne.s32 s16, $0x300;
	_ =	swait.ge [sflag:s7], $0x100  }
0x21: {  	[sflag:s7] =	ssyncset.done $0x0  }
0x22: {  	[sflag:s7] =	ssyncadd.s32 $0xFFFFFF00  }
0x23: {  	[tilespmem:s9], [sflag:$0x1] =	stream.indirect.gather [hbm4b:s3+s8], $0x40, s2, s8, $0xb8;
	[tilespmem:$0x4100] =	vst v63  }
0x24: {  	_ = 	snop  }
0x25: {  	[tilespmem:s10], [sflag:$0x1] =	stream.indirect.gather [hbm4b:s3+s8], $0x40, s8, s8, $0xb8;
	[tilespmem:$0x4100] =	vst v63  }
0x26: {  	_ =	swait.ge [sflag:s11], $0x2000  }
0x27: {  	[sflag:s11] =	ssyncset.done $0x0  }
0x28: {  	[sflag:s11] =	ssyncadd.s32 $0xFFFFE000  }
0x29: {  	_ =	swait.ge [sflag:s11], $0x2000  }
.Ltmp0:
0x2a: {  	[sflag:s11] =	ssyncset.done $0x0;
	(pc) =	sbr.rel @p0 .LBB2_2-.Ltmp0, $4  }
0x2b: {  	[sflag:s11] =	ssyncadd.s32 $0xFFFFE000  }
0x2c: {  	[hbm4b:s14+s12] =	stream.strided.scatter [tilespmem:s9], [sflag:$0x2], $0x4000, s8, s12, $0x38;
	[tilespmem:$0x4100] =	vst v63  }
0x2d: {  	_ =	swait.ge [sflag:s7], $0x4000  }
0x2e: {  	s16 =	smov.u32 s18;
	s14 =	sadd.s32 $0x1000, s14;
	[sflag:s7] =	ssyncset.done $0x0  }
0x2f: {  	s15 =	sadd.s32 s15, s6;
	[sflag:s7] =	ssyncadd.s32 $0xFFFFC000  }
0x30: {  	[tilespmem:s2], [sflag:$0x2] =	stream.linear.gather [hbm4b:s15+s2], $0x100, $0x38;
	[tilespmem:$0x4100] =	vst v63  }
0x31: {  	_ =	swait.ge [sflag:s7], $0x100  }
0x32: {  	[sflag:s7] =	ssyncset.done $0x0  }
0x33: {  	[sflag:s7] =	ssyncadd.s32 $0xFFFFFF00  }
0x34: {  	[tilespmem:s9], [sflag:$0x1] =	stream.indirect.gather [hbm4b:s3+s8], $0x40, s2, s8, $0xb8;
	[tilespmem:$0x4100] =	vst v63  }
0x35: {  	_ = 	snop  }
0x36: {  	[tilespmem:s10], [sflag:$0x1] =	stream.indirect.gather [hbm4b:s3+s8], $0x40, s8, s8, $0xb8;
	[tilespmem:$0x4100] =	vst v63  }
0x37: {  	_ =	swait.ge [sflag:s11], $0x2000  }
0x38: {  	[sflag:s11] =	ssyncset.done $0x0  }
0x39: {  	[sflag:s11] =	ssyncadd.s32 $0xFFFFE000  }
0x3a: {  	s13 =	sadd.s32 $0x1, s13;
	_ =	swait.ge [sflag:s11], $0x2000  }
0x3b: {  	p0 =	sne.s32 s13, s4;
	[sflag:s11] =	ssyncset.done $0x0  }
.Ltmp1:
0x3c: {  	[sflag:s11] =	ssyncadd.s32 $0xFFFFE000;
	(pc) =	sbr.rel @p0 .LBB2_1-.Ltmp1, $4  }
0x3d: {  	[hbm4b:s14+s12] =	stream.strided.scatter [tilespmem:s9], [sflag:$0x2], $0x4000, s8, s12, $0x38;
	[tilespmem:$0x4100] =	vst v63  }
0x3e: {  	_ =	swait.ge [sflag:s7], $0x4000  }
0x3f: {  	[sflag:s7] =	ssyncset.done $0x0  }
0x40: {  	[sflag:s7] =	ssyncadd.s32 $0xFFFFC000  }
0x41: {  	_ =	sfence.sel $0x180000  }
0x42: {  	[bflag:$0x0] =	sbarrier.arrive $0xFFFF  }
0x43: {  	p0 =	sne.s32 s1, $0x0;
	_ =	strace $0x9000004D  }
0x44: {  	s0 =	sadd.s32 @!p0 $0x100000, s0;
	[bflag:$0x2] =	sbarrier.arrive $0xFFFF  }
0x45: {  	[sflag:s0] =	ssyncadd.tile.s32 @!p0 $0x1;
	_ =	shalt  }
.Lfunc_end2:
_tile_overlayer_lowered:
.L_overlay_start_2:
0x46: {  	(tag) =	ssettag $0x2  }
0x47: {  	s0 =	rddreg [dreg:$0x0];
	s2 =	stileid.u32  }
0x48: {  	s1 =	rddreg [dreg:$0x1];
	p0 =	sne.s32 s2, $0x0  }
0x49: {  	s3 =	rddreg [dreg:$0x2];
	[bflag:$0x3] =	sbarrier.arrive $0xFFFF;
	s2 =	simm.s32 @!p0 $0x1C02  }
0x4a: {  	[timem:s3], [sflag:s2] =	dma.local @!p0 [hbm:s0], s1  }
0x4b: {  	s0 =	simm.s32 @!p0 $0x2  }
0x4c: {  	_ =	swait.ge @!p0 [sflag:s0], s1  }
0x4d: {  	s1 =	ssub.s32 @!p0 $0x0, s1;
	[sflag:s0] =	ssyncset.done @!p0 $0x0  }
0x4e: {  	[sflag:s0] =	ssyncadd.s32 @!p0 s1  }
0x4f: {  	[bflag:$0x3] =	sbarrier.arrive $0xFFFF  }
0x50: {  	_ =	shalt  }

// kernel: kernel.21.cloned.1.call-start
scs
__scs_entry_jumppad:
0x0: {  	(pc) =	sbr.rel $0x88, $3  }
0x1: {  	(tag) =	ssettag $0x0;
	lr =	simm.s32 $0x1  }
0x2: {  	[smem:$0x3F9D] =	sst lr;
	_ =	strace $0xD0000000  }
0x3: {  	_ = 	snop  }
0x4: {  	_ = 	snop  }
0x5: {  	_ = 	snop  }
0x6: {  	_ = 	snop  }
0x7: {  	_ = 	snop  }
__scs_overlays_trampoline_lowered:
0x8: {  	[smem:$0x3FAC] =	sst s0  }
0x9: {  	[smem:$0x3FAD] =	sst s1  }
0xa: {  	[smem:$0x3FAE] =	sst s2  }
0xb: {  	[smem:$0x3FAF] =	sst s3  }
0xc: {  	[smem:$0x3FB0] =	sst s4  }
0xd: {  	[smem:$0x3FB1] =	sst s5  }
0xe: {  	[smem:$0x3FB2] =	sst s6  }
0xf: {  	[smem:$0x3FB3] =	sst s7  }
0x10: {  	[smem:$0x3FB4] =	sst s8  }
0x11: {  	[smem:$0x3FB5] =	sst s9;
	s0 =	simm.s32 @!p0 $0x0  }
0x12: {  	s1 =	sld [smem:$0x3F9B];
	s0 =	simm.s32 @p0 $0x1  }
0x13: {  	[smem:$0x3FB6] =	sst s0;
	s0 =	simm.s32 @!p1 $0x0  }
0x14: {  	s2 =	sld [smem:$0x3F9A];
	s0 =	simm.s32 @p1 $0x1  }
0x15: {  	[smem:$0x3FB7] =	sst s0;
	s0 =	simm.s32 @!p2 $0x0  }
0x16: {  	s3 =	sld [smem:$0x3FDB];
	s0 =	simm.s32 @p2 $0x1  }
0x17: {  	s4 =	simm.s32 $0x1BF5;
	[smem:$0x3FB9] =	sst s0  }
0x18: {  	s0 =	sld [smem:$0x3F9C];
	_ =	swait.ge [sflag:s4], $0x0  }
0x19: {  	s7 =	sld [smem:$0x3F9D]  }
0x1a: {  	s8 =	sadd.s32 $0xFFFFE003, lr  }
0x1b: {  	s9 =	sadd.s32 $0xFFFFFEF7, lr;
	s5 =	simm.s32 $0xFFFFFFFF;
	p2 =	slt.u32 s8, $0xFFFFF086  }
0x1c: {  	p1 =	slt.u32 s9, $0xF7A;
	s5 =	simm.s32 @!p2 $0x0  }
0x1d: {  	s5 =	simm.s32 @p1 $0x1;
	p0 =	seq.s32 s7, s2  }
0x1e: {  	s7 =	smul.u32 @!p0 $0xF7A, s2;
	p2 =	seq.s32 @!p0 s5, $0x0  }
0x1f: {  	s9 =	smul.u32 $0xF7A, s1;
	s8 =	simm.s32 @!p0 $0x1BF5;
	p2 =	por !p2, p0  }
0x20: {  	[sflag:s8] =	ssyncset.s32 @!p0 $0xFFFFF086;
	s6 =	sadd.s32 @!p0 s3, s7;
	s7 =	simm.s32 @!p0 $0x108  }
0x21: {  	s3 =	sadd.s32 s3, s9;
	s6 =	sadd.s32 @!p0 $0x88, s6;
	s7 =	simm.s32 @p2 $0x1082  }
0x22: {  	[simem:s7], [sflag:s8] =	dma.local @!p0 [hbm:s6], $0xF7A  }
0x23: {  	s9 =	sor.u32 $0xD0000000, s2;
	s6 =	simm.s32 $0x108;
	_ =	swait.ge @!p0 [sflag:s8], $0x0  }
0x24: {  	s3 =	sadd.s32 $0x88, s3;
	s6 =	simm.s32 @!p1 $0x1082;
	[sflag:s4] =	ssyncset.s32 $0xFFFFF086  }
0x25: {  	[simem:s6], [sflag:s4] =	dma.local [hbm:s3], $0xF7A  }
0x26: {  	[smem:$0x3F9D] =	sst s1;
	(tag) =	ssettag s2;
	_ =	strace s9  }
0x27: {  	s1 =	sld [smem:$0x3FAD]  }
0x28: {  	s2 =	sld [smem:$0x3FAE]  }
0x29: {  	s4 =	sld [smem:$0x3FB0]  }
0x2a: {  	p0 =	seq.s32 s5, $0x0;
	s5 =	sld [smem:$0x3FB1]  }
0x2b: {  	s6 =	sld [smem:$0x3FB2]  }
0x2c: {  	s7 =	sld [smem:$0x3FB3]  }
0x2d: {  	s3 =	simm.s32 $0x108;
	s8 =	sld [smem:$0x3FB4]  }
0x2e: {  	s3 =	simm.s32 @!p0 $0x1082;
	s9 =	sld [smem:$0x3FB5]  }
0x2f: {  	lr =	sadd.s32 s0, s3;
	s0 =	sld [smem:$0x3FAC]  }
0x30: {  	s3 =	sld [smem:$0x3FAF]  }
0x31: {  	[smem:$0x3FB8] =	sst s10  }
0x32: {  	s10 =	sld [smem:$0x3FB6];
	_ =	sdelay $0x3  }
0x33: {  	p0 =	seq.s32 s10, $0x1;
	s10 =	sld [smem:$0x3FB8];
	_ =	sdelay $0x3  }
0x34: {  	[smem:$0x3FB8] =	sst s10  }
0x35: {  	s10 =	sld [smem:$0x3FB7];
	_ =	sdelay $0x3  }
0x36: {  	p1 =	seq.s32 s10, $0x1;
	s10 =	sld [smem:$0x3FB8];
	_ =	sdelay $0x3  }
0x37: {  	[smem:$0x3FB8] =	sst s10  }
0x38: {  	s10 =	sld [smem:$0x3FB9]  }
0x39: {  	_ = 	snop;
	(pc) =	sbr.ind lr, $3  }
0x3a: {  	_ = 	snop  }
0x3b: {  	_ = 	snop  }
0x3c: {  	p2 =	seq.s32 s10, $0x1;
	s10 =	sld [smem:$0x3FB8]  }
0x3d: {  	_ =	shalt  }
0x3e: {  	_ =	shalt  }
0x3f: {  	_ =	shalt  }
0x40: {  	_ =	shalt  }
0x41: {  	_ =	shalt  }
0x42: {  	_ =	shalt  }
0x43: {  	_ =	shalt  }
0x44: {  	_ =	shalt  }
0x45: {  	_ =	shalt  }
0x46: {  	_ =	shalt  }
0x47: {  	_ =	shalt  }
0x48: {  	_ =	shalt  }
0x49: {  	_ =	shalt  }
0x4a: {  	_ =	shalt  }
0x4b: {  	_ =	shalt  }
0x4c: {  	_ =	shalt  }
0x4d: {  	_ =	shalt  }
0x4e: {  	_ =	shalt  }
0x4f: {  	_ =	shalt  }
0x50: {  	_ =	shalt  }
0x51: {  	_ =	shalt  }
0x52: {  	_ =	shalt  }
0x53: {  	_ =	shalt  }
0x54: {  	_ =	shalt  }
0x55: {  	_ =	shalt  }
0x56: {  	_ =	shalt  }
0x57: {  	_ =	shalt  }
0x58: {  	_ =	shalt  }
0x59: {  	_ =	shalt  }
0x5a: {  	_ =	shalt  }
0x5b: {  	_ =	shalt  }
0x5c: {  	_ =	shalt  }
0x5d: {  	_ =	shalt  }
0x5e: {  	_ =	shalt  }
0x5f: {  	_ =	shalt  }
0x60: {  	_ =	shalt  }
0x61: {  	_ =	shalt  }
0x62: {  	_ =	shalt  }
0x63: {  	_ =	shalt  }
0x64: {  	_ =	shalt  }
0x65: {  	_ =	shalt  }
0x66: {  	_ =	shalt  }
0x67: {  	_ =	shalt  }
0x68: {  	_ =	shalt  }
0x69: {  	_ =	shalt  }
0x6a: {  	_ =	shalt  }
0x6b: {  	_ =	shalt  }
0x6c: {  	_ =	shalt  }
0x6d: {  	_ =	shalt  }
0x6e: {  	_ =	shalt  }
0x6f: {  	_ =	shalt  }
0x70: {  	_ =	shalt  }
0x71: {  	_ =	shalt  }
0x72: {  	_ =	shalt  }
0x73: {  	_ =	shalt  }
0x74: {  	_ =	shalt  }
0x75: {  	_ =	shalt  }
0x76: {  	_ =	shalt  }
0x77: {  	_ =	shalt  }
0x78: {  	_ =	shalt  }
0x79: {  	_ =	shalt  }
0x7a: {  	_ =	shalt  }
0x7b: {  	_ =	shalt  }
0x7c: {  	_ =	shalt  }
0x7d: {  	_ =	shalt  }
0x7e: {  	_ =	shalt  }
0x7f: {  	_ =	shalt  }
0x80: {  	_ =	shalt  }
0x81: {  	_ =	shalt  }
0x82: {  	_ =	shalt  }
0x83: {  	_ =	shalt  }
0x84: {  	_ =	shalt  }
0x85: {  	_ =	shalt  }
0x86: {  	_ =	shalt  }
0x87: {  	_ =	shalt  }
.Lfunc_end0:
.L_simem_size_0:
called_computation.3_lowered:
.L_overlay_start_0:
0x88: {  	s2 =	sld [smem:$0x3FD9]  }
0x89: {  	s3 =	sld [smem:$0x3FFE];
	_ =	sdelay $0x1  }
0x8a: {  	s1 =	srdreg.scid  }
0x8b: {  	s0 =	sand.u32 $0x1, s1  }
0x8c: {  	s17 =	sshll.u32 s0, $0xA;
	s2 =	sadd.s32 s3, s2  }
0x8d: {  	s2 =	sadd.s32 s2, s17  }
0x8e: {  	[smem:$0x3FC4] =	sst s2  }
0x8f: {  	_ = 	snop  }
0x90: {  	(tm) =	ssettm $0x1  }
0x91: {  	s18 =	sld [smem:$0x3FFB];
	_ =	sdelay $0x3  }
0x92: {  	_ =	strace s18  }
0x93: {  	s2 =	sld [smem:$0x3FFC];
	_ =	sdelay $0x3  }
0x94: {  	_ =	strace s2  }
0x95: {  	s2 =	sld [smem:$0x3FFD];
	_ =	sdelay $0x3  }
0x96: {  	_ =	strace s2  }
0x97: {  	_ =	strace $0x8FFFFFFF  }
0x98: {  	s19 =	sld [smem:$0x3FDB];
	_ =	sdelay $0x1  }
0x99: {  	s20 =	simm.s32 $_scs_section_size  }
0x9a: {  	s4 =	simm.s32 $_size__tile_overlayer_lowered;
	s5 =	simm.s32 $_tile_overlayer_lowered  }
0x9b: {  	s6 =	simm.s32 $0x1BFF;
	s21 =	sshll.u32 s5, $0x1;
	s3 =	sadd.s32 s20, s19  }
0x9c: {  	s22 =	simm.s32 $0x0;
	s4 =	sshll.u32 s4, $0x1;
	s5 =	sadd.s32 s21, s3  }
0x9d: {  	[timem:s22], [sflag:s6] =	dma.local [hbm:s5], s4  }
0x9e: {  	_ =	swait.ge [sflag:s6], s4  }
0x9f: {  	s4 =	ssub.s32 $0x0, s4;
	[sflag:s6] =	ssyncset.done $0x0  }
0xa0: {  	[sflag:s6] =	ssyncadd.s32 s4;
	_ =	sdelay $0x1  }
0xa1: {  	s23 =	simm.s32 $0x1B8B  }
0xa2: {  	_ =	swait.ge [sflag:s23], $0x1  }
0xa3: {  	[sflag:s23] =	ssyncset.done $0x0  }
0xa4: {  	[sflag:s23] =	ssyncadd.s32 $0xFFFFFFFF  }
0xa5: {  	s4 =	sld [smem:$0x0]  }
0xa6: {  	s5 =	sand.u32 $0xFFFFFFFE, s1  }
0xa7: {  	p0 =	sne.s32 s1, s5  }
0xa8: {  	s5 =	sshll.u32 @p0 s5, $0xE  }
0xa9: {  	s5 =	sadd.s32 @p0 $0x11B8D, s5;
	s6 =	sshll.u32 @p0 s4, $0x11  }
0xaa: {  	s5 =	sor.u32 @p0 s6, s5  }
0xab: {  	[sflag:s5] =	ssyncadd.remote.s32 @p0 $0x1;
	_ =	sdelay $0x1  }
0xac: {  	s5 =	simm.s32 @p0 $0x1B8D  }
0xad: {  	_ =	swait.eq @p0 [sflag:s5], $0x1  }
0xae: {  	[sflag:s5] =	ssyncadd.s32 @p0 $0xFFFFFFFF  }
0xaf: {  	s6 =	sshll.u32 @!p0 s1, $0xE  }
0xb0: {  	s6 =	sor.u32 @!p0 $0x4000, s6;
	s5 =	simm.s32 @!p0 $0x1B8D  }
0xb1: {  	s4 =	sshll.u32 @!p0 s4, $0x11;
	s6 =	sadd.s32 @!p0 $0x11B8D, s6;
	_ =	swait.eq @!p0 [sflag:s5], $0x1  }
0xb2: {  	s4 =	sor.u32 @!p0 s4, s6;
	[sflag:s5] =	ssyncadd.s32 @!p0 $0xFFFFFFFF  }
0xb3: {  	s25 =	simm.s32 $0x1B8E;
	s24 =	sld [smem:$0x3FFE];
	[sflag:s4] =	ssyncadd.remote.s32 @!p0 $0x1  }
0xb4: {  	s26 =	simm.s32 $execute0_lowered;
	[smem:$0x3FD2] =	sst s25  }
0xb5: {  	s5 =	sshll.u32 s26, $0x1;
	_ =	strace $0x8000004F;
	[dreg:$0x1] =	wrdreg $0xFFFFFFFF  }
0xb6: {  	s28 =	simm.s32 $_size_execute0_lowered;
	s3 =	sadd.s32 s3, s5;
	[dreg:$0x0] =	wrdreg $0x0  }
0xb7: {  	s5 =	sshll.u32 s28, $0x1;
	[dreg:$0x2] =	wrdreg s3  }
0xb8: {  	[dreg:$0x3] =	wrdreg s5  }
0xb9: {  	[dreg:$0x4] =	wrdreg $0xC0  }
0xba: {  	_ =	task [dreg:s22], $0x5FFFF  }
0xbb: {  	[dreg:$0x1] =	wrdreg $0xFFFFFFFF  }
0xbc: {  	[dreg:$0x0] =	wrdreg $0x60  }
0xbd: {  	[dreg:$0x2] =	wrdreg s24  }
0xbe: {  	[dreg:$0x3] =	wrdreg $0xB  }
0xbf: {  	_ =	task.clear_ibuf [dreg:s22], $0x4FFFF;
	_ =	strace $0x9000004F  }
0xc0: {  	s29 =	simm.s32 $0xB;
	_ =	strace $0x80000051  }
0xc1: {  	_ =	swait.ge [sflag:s29], $0x1  }
0xc2: {  	[sflag:s29] =	ssyncadd.s32 $0xFFFFFFFF  }
0xc3: {  	_ =	strace $0x90000051  }
0xc4: {  	_ =	sfence  }
0xc5: {  	s30 =	sld [smem:$0x0];
	_ =	sdelay $0x2  }
0xc6: {  	s31 =	sshll.u32 s1, $0xD;
	s1 =	sshrl.u32 s1, $0x2  }
0xc7: {  	s4 =	sand.u32 $0x4000, s31;
	s1 =	sadd.s32 s1, s30  }
0xc8: {  	s0 =	sor.u32 s4, s0;
	s1 =	sshll.u32 s1, $0x11  }
0xc9: {  	s0 =	sor.u32 s1, s0  }
0xca: {  	s0 =	sadd.s32 $0x8F2B, s0  }
0xcb: {  	[sflag:s0] =	ssyncadd.remote.s32 $0x1  }
0xcc: {  	_ =	sfence.sel $0xFFFF  }
0xcd: {  	[dreg:$0x0] =	wrdreg $0xFFFFFFFF;
	(pc) =	sbr.abs _section_cstart, $3  }
0xce: {  	[dreg:$0x1] =	wrdreg $0xFFFFFFFF  }
0xcf: {  	_ =	task.clear_ibuf [dreg:s22], $0x2FFFF;
	_ =	strace $0x9FFFFFFF  }
0xd0: {  	(tm) =	ssettm $0x7FFFFFFF  }
0xd1: {  	_ =	shalt  }
tec
execute0_lowered:
.L_overlay_start_1:
0x0: {  	(tag) =	ssettag $0x1  }
0x1: {  	s4 =	rddreg [dreg:$0x0]  }
0x2: {  	s0 =	rddreg [dreg:$0x1];
	s1 =	stileid.u32  }
0x3: {  	s2 =	simm.s32 $0x0;
	s3 =	srdreg.scid;
	s11 =	simm.s32 $0x1  }
0x4: {  	s12 =	simm.s32 $0x40;
	s13 =	simm.s32 $0x0;
	s5 =	smul.u32 $0x640, s1  }
0x5: {  	[smem:$0x7FF] =	sst s2;
	s6 =	smul.u32 $0x32000, s1;
	s7 =	sand.u32 $0x1, s3  }
0x6: {  	s3 =	sadd.s32 $0x1AA00, s4;
	s8 =	ssub.s32 $0x2, s7;
	s9 =	smul.u32 $0x19000, s7  }
0x7: {  	_ =	strace $0x80000050;
	s7 =	smul.u32 $0x320, s7;
	s10 =	sshrl.u32 s8, $0x1  }
0x8: {  	s5 =	sadd.s32 s5, s4;
	s6 =	sadd.s32 s6, s4;
	s31 =	ssub.s32 s8, s10  }
0x9: {  	s6 =	sadd.s32 s9, s6;
	s7 =	sadd.s32 s7, s5;
	s8 =	simm.s32 $0x80  }
0xa: {  	s9 =	simm.s32 $0x100;
	s10 =	simm.s32 $0x2100;
	s4 =	smax.u32 s31, $0x1  }
0xb: {  	s5 =	sadd.s32 $0x15CD600, s6;
	s6 =	sadd.s32 $0xF80E00, s7;
	s7 =	simm.s32 $0x2  }
.LBB2_1:
0xc: {  	s14 =	sadd.s32 $0x0, s6  }
0xd: {  	[tilespmem:s2], [sflag:$0x2] =	stream.linear.gather [hbm4b:s14+s2], $0x100, $0x38;
	[tilespmem:$0x4100] =	vst v63  }
0xe: {  	_ =	swait.ge [sflag:s7], $0x100  }
0xf: {  	[sflag:s7] =	ssyncset.done $0x0  }
0x10: {  	[sflag:s7] =	ssyncadd.s32 $0xFFFFFF00  }
0x11: {  	[tilespmem:s9], [sflag:$0x1] =	stream.indirect.gather [hbm4b:s3+s8], $0x40, s2, s8, $0xb8;
	[tilespmem:$0x4100] =	vst v63  }
0x12: {  	_ = 	snop  }
0x13: {  	[tilespmem:s10], [sflag:$0x1] =	stream.indirect.gather [hbm4b:s3+s8], $0x40, s8, s8, $0xb8;
	[tilespmem:$0x4100] =	vst v63  }
0x14: {  	_ =	swait.ge [sflag:s11], $0x2000  }
0x15: {  	[sflag:s11] =	ssyncset.done $0x0  }
0x16: {  	[sflag:s11] =	ssyncadd.s32 $0xFFFFE000  }
0x17: {  	_ =	swait.ge [sflag:s11], $0x2000  }
0x18: {  	[sflag:s11] =	ssyncset.done $0x0  }
0x19: {  	[sflag:s11] =	ssyncadd.s32 $0xFFFFE000  }
0x1a: {  	[hbm4b:s5+s12] =	stream.strided.scatter [tilespmem:s9], [sflag:$0x2], $0x4000, s8, s12, $0x38;
	[tilespmem:$0x4100] =	vst v63  }
0x1b: {  	s15 =	simm.s32 $0x20;
	_ =	swait.ge [sflag:s7], $0x4000  }
0x1c: {  	s16 =	simm.s32 $0x40;
	s14 =	sadd.s32 $0x1000, s5;
	[sflag:s7] =	ssyncset.done $0x0  }
.LBB2_2:
0x1d: {  	s17 =	sadd.s32 s15, s6  }
0x1e: {  	[sflag:s7] =	ssyncadd.s32 $0xFFFFC000;
	s15 =	smov.u32 s16;
	s18 =	sadd.s32 $0x20, s16  }
0x1f: {  	[tilespmem:s2], [sflag:$0x2] =	stream.linear.gather [hbm4b:s17+s2], $0x100, $0x38;
	[tilespmem:$0x4100] =	vst v63  }
0x20: {  	p0 =	sne.s32 s16, $0x300;
	_ =	swait.ge [sflag:s7], $0x100  }
0x21: {  	[sflag:s7] =	ssyncset.done $0x0  }
0x22: {  	[sflag:s7] =	ssyncadd.s32 $0xFFFFFF00  }
0x23: {  	[tilespmem:s9], [sflag:$0x1] =	stream.indirect.gather [hbm4b:s3+s8], $0x40, s2, s8, $0xb8;
	[tilespmem:$0x4100] =	vst v63  }
0x24: {  	_ = 	snop  }
0x25: {  	[tilespmem:s10], [sflag:$0x1] =	stream.indirect.gather [hbm4b:s3+s8], $0x40, s8, s8, $0xb8;
	[tilespmem:$0x4100] =	vst v63  }
0x26: {  	_ =	swait.ge [sflag:s11], $0x2000  }
0x27: {  	[sflag:s11] =	ssyncset.done $0x0  }
0x28: {  	[sflag:s11] =	ssyncadd.s32 $0xFFFFE000  }
0x29: {  	_ =	swait.ge [sflag:s11], $0x2000  }
.Ltmp0:
0x2a: {  	[sflag:s11] =	ssyncset.done $0x0;
	(pc) =	sbr.rel @p0 .LBB2_2-.Ltmp0, $4  }
0x2b: {  	[sflag:s11] =	ssyncadd.s32 $0xFFFFE000  }
0x2c: {  	[hbm4b:s14+s12] =	stream.strided.scatter [tilespmem:s9], [sflag:$0x2], $0x4000, s8, s12, $0x38;
	[tilespmem:$0x4100] =	vst v63  }
0x2d: {  	_ =	swait.ge [sflag:s7], $0x4000  }
0x2e: {  	s16 =	smov.u32 s18;
	s14 =	sadd.s32 $0x1000, s14;
	[sflag:s7] =	ssyncset.done $0x0  }
0x2f: {  	s15 =	sadd.s32 s15, s6;
	[sflag:s7] =	ssyncadd.s32 $0xFFFFC000  }
0x30: {  	[tilespmem:s2], [sflag:$0x2] =	stream.linear.gather [hbm4b:s15+s2], $0x100, $0x38;
	[tilespmem:$0x4100] =	vst v63  }
0x31: {  	_ =	swait.ge [sflag:s7], $0x100  }
0x32: {  	[sflag:s7] =	ssyncset.done $0x0  }
0x33: {  	[sflag:s7] =	ssyncadd.s32 $0xFFFFFF00  }
0x34: {  	[tilespmem:s9], [sflag:$0x1] =	stream.indirect.gather [hbm4b:s3+s8], $0x40, s2, s8, $0xb8;
	[tilespmem:$0x4100] =	vst v63  }
0x35: {  	_ = 	snop  }
0x36: {  	[tilespmem:s10], [sflag:$0x1] =	stream.indirect.gather [hbm4b:s3+s8], $0x40, s8, s8, $0xb8;
	[tilespmem:$0x4100] =	vst v63  }
0x37: {  	_ =	swait.ge [sflag:s11], $0x2000  }
0x38: {  	[sflag:s11] =	ssyncset.done $0x0  }
0x39: {  	[sflag:s11] =	ssyncadd.s32 $0xFFFFE000  }
0x3a: {  	s13 =	sadd.s32 $0x1, s13;
	_ =	swait.ge [sflag:s11], $0x2000  }
0x3b: {  	p0 =	sne.s32 s13, s4;
	[sflag:s11] =	ssyncset.done $0x0  }
.Ltmp1:
0x3c: {  	[sflag:s11] =	ssyncadd.s32 $0xFFFFE000;
	(pc) =	sbr.rel @p0 .LBB2_1-.Ltmp1, $4  }
0x3d: {  	[hbm4b:s14+s12] =	stream.strided.scatter [tilespmem:s9], [sflag:$0x2], $0x4000, s8, s12, $0x38;
	[tilespmem:$0x4100] =	vst v63  }
0x3e: {  	_ =	swait.ge [sflag:s7], $0x4000  }
0x3f: {  	[sflag:s7] =	ssyncset.done $0x0  }
0x40: {  	[sflag:s7] =	ssyncadd.s32 $0xFFFFC000  }
0x41: {  	_ =	sfence.sel $0x180000  }
0x42: {  	[bflag:$0x0] =	sbarrier.arrive $0xFFFF  }
0x43: {  	p0 =	sne.s32 s1, $0x0;
	_ =	strace $0x90000050  }
0x44: {  	s0 =	sadd.s32 @!p0 $0x100000, s0;
	[bflag:$0x2] =	sbarrier.arrive $0xFFFF  }
0x45: {  	[sflag:s0] =	ssyncadd.tile.s32 @!p0 $0x1;
	_ =	shalt  }
.Lfunc_end2:
_tile_overlayer_lowered:
.L_overlay_start_2:
0x46: {  	(tag) =	ssettag $0x2  }
0x47: {  	s0 =	rddreg [dreg:$0x0];
	s2 =	stileid.u32  }
0x48: {  	s1 =	rddreg [dreg:$0x1];
	p0 =	sne.s32 s2, $0x0  }
0x49: {  	s3 =	rddreg [dreg:$0x2];
	[bflag:$0x3] =	sbarrier.arrive $0xFFFF;
	s2 =	simm.s32 @!p0 $0x1C02  }
0x4a: {  	[timem:s3], [sflag:s2] =	dma.local @!p0 [hbm:s0], s1  }
0x4b: {  	s0 =	simm.s32 @!p0 $0x2  }
0x4c: {  	_ =	swait.ge @!p0 [sflag:s0], s1  }
0x4d: {  	s1 =	ssub.s32 @!p0 $0x0, s1;
	[sflag:s0] =	ssyncset.done @!p0 $0x0  }
0x4e: {  	[sflag:s0] =	ssyncadd.s32 @!p0 s1  }
0x4f: {  	[bflag:$0x3] =	sbarrier.arrive $0xFFFF  }
0x50: {  	_ =	shalt  }

// kernel: kernel.24.cloned.1.call-start
scs
__scs_entry_jumppad:
0x0: {  	(pc) =	sbr.rel $0x88, $3  }
0x1: {  	(tag) =	ssettag $0x0;
	lr =	simm.s32 $0x1  }
0x2: {  	[smem:$0x3F9D] =	sst lr;
	_ =	strace $0xD0000000  }
0x3: {  	_ = 	snop  }
0x4: {  	_ = 	snop  }
0x5: {  	_ = 	snop  }
0x6: {  	_ = 	snop  }
0x7: {  	_ = 	snop  }
__scs_overlays_trampoline_lowered:
0x8: {  	[smem:$0x3FAC] =	sst s0  }
0x9: {  	[smem:$0x3FAD] =	sst s1  }
0xa: {  	[smem:$0x3FAE] =	sst s2  }
0xb: {  	[smem:$0x3FAF] =	sst s3  }
0xc: {  	[smem:$0x3FB0] =	sst s4  }
0xd: {  	[smem:$0x3FB1] =	sst s5  }
0xe: {  	[smem:$0x3FB2] =	sst s6  }
0xf: {  	[smem:$0x3FB3] =	sst s7  }
0x10: {  	[smem:$0x3FB4] =	sst s8  }
0x11: {  	[smem:$0x3FB5] =	sst s9;
	s0 =	simm.s32 @!p0 $0x0  }
0x12: {  	s1 =	sld [smem:$0x3F9B];
	s0 =	simm.s32 @p0 $0x1  }
0x13: {  	[smem:$0x3FB6] =	sst s0;
	s0 =	simm.s32 @!p1 $0x0  }
0x14: {  	s2 =	sld [smem:$0x3F9A];
	s0 =	simm.s32 @p1 $0x1  }
0x15: {  	[smem:$0x3FB7] =	sst s0;
	s0 =	simm.s32 @!p2 $0x0  }
0x16: {  	s3 =	sld [smem:$0x3FDB];
	s0 =	simm.s32 @p2 $0x1  }
0x17: {  	s4 =	simm.s32 $0x1BF5;
	[smem:$0x3FB9] =	sst s0  }
0x18: {  	s0 =	sld [smem:$0x3F9C];
	_ =	swait.ge [sflag:s4], $0x0  }
0x19: {  	s7 =	sld [smem:$0x3F9D]  }
0x1a: {  	s8 =	sadd.s32 $0xFFFFE003, lr  }
0x1b: {  	s9 =	sadd.s32 $0xFFFFFEF7, lr;
	s5 =	simm.s32 $0xFFFFFFFF;
	p2 =	slt.u32 s8, $0xFFFFF086  }
0x1c: {  	p1 =	slt.u32 s9, $0xF7A;
	s5 =	simm.s32 @!p2 $0x0  }
0x1d: {  	s5 =	simm.s32 @p1 $0x1;
	p0 =	seq.s32 s7, s2  }
0x1e: {  	s7 =	smul.u32 @!p0 $0xF7A, s2;
	p2 =	seq.s32 @!p0 s5, $0x0  }
0x1f: {  	s9 =	smul.u32 $0xF7A, s1;
	s8 =	simm.s32 @!p0 $0x1BF5;
	p2 =	por !p2, p0  }
0x20: {  	[sflag:s8] =	ssyncset.s32 @!p0 $0xFFFFF086;
	s6 =	sadd.s32 @!p0 s3, s7;
	s7 =	simm.s32 @!p0 $0x108  }
0x21: {  	s3 =	sadd.s32 s3, s9;
	s6 =	sadd.s32 @!p0 $0x88, s6;
	s7 =	simm.s32 @p2 $0x1082  }
0x22: {  	[simem:s7], [sflag:s8] =	dma.local @!p0 [hbm:s6], $0xF7A  }
0x23: {  	s9 =	sor.u32 $0xD0000000, s2;
	s6 =	simm.s32 $0x108;
	_ =	swait.ge @!p0 [sflag:s8], $0x0  }
0x24: {  	s3 =	sadd.s32 $0x88, s3;
	s6 =	simm.s32 @!p1 $0x1082;
	[sflag:s4] =	ssyncset.s32 $0xFFFFF086  }
0x25: {  	[simem:s6], [sflag:s4] =	dma.local [hbm:s3], $0xF7A  }
0x26: {  	[smem:$0x3F9D] =	sst s1;
	(tag) =	ssettag s2;
	_ =	strace s9  }
0x27: {  	s1 =	sld [smem:$0x3FAD]  }
0x28: {  	s2 =	sld [smem:$0x3FAE]  }
0x29: {  	s4 =	sld [smem:$0x3FB0]  }
0x2a: {  	p0 =	seq.s32 s5, $0x0;
	s5 =	sld [smem:$0x3FB1]  }
0x2b: {  	s6 =	sld [smem:$0x3FB2]  }
0x2c: {  	s7 =	sld [smem:$0x3FB3]  }
0x2d: {  	s3 =	simm.s32 $0x108;
	s8 =	sld [smem:$0x3FB4]  }
0x2e: {  	s3 =	simm.s32 @!p0 $0x1082;
	s9 =	sld [smem:$0x3FB5]  }
0x2f: {  	lr =	sadd.s32 s0, s3;
	s0 =	sld [smem:$0x3FAC]  }
0x30: {  	s3 =	sld [smem:$0x3FAF]  }
0x31: {  	[smem:$0x3FB8] =	sst s10  }
0x32: {  	s10 =	sld [smem:$0x3FB6];
	_ =	sdelay $0x3  }
0x33: {  	p0 =	seq.s32 s10, $0x1;
	s10 =	sld [smem:$0x3FB8];
	_ =	sdelay $0x3  }
0x34: {  	[smem:$0x3FB8] =	sst s10  }
0x35: {  	s10 =	sld [smem:$0x3FB7];
	_ =	sdelay $0x3  }
0x36: {  	p1 =	seq.s32 s10, $0x1;
	s10 =	sld [smem:$0x3FB8];
	_ =	sdelay $0x3  }
0x37: {  	[smem:$0x3FB8] =	sst s10  }
0x38: {  	s10 =	sld [smem:$0x3FB9]  }
0x39: {  	_ = 	snop;
	(pc) =	sbr.ind lr, $3  }
0x3a: {  	_ = 	snop  }
0x3b: {  	_ = 	snop  }
0x3c: {  	p2 =	seq.s32 s10, $0x1;
	s10 =	sld [smem:$0x3FB8]  }
0x3d: {  	_ =	shalt  }
0x3e: {  	_ =	shalt  }
0x3f: {  	_ =	shalt  }
0x40: {  	_ =	shalt  }
0x41: {  	_ =	shalt  }
0x42: {  	_ =	shalt  }
0x43: {  	_ =	shalt  }
0x44: {  	_ =	shalt  }
0x45: {  	_ =	shalt  }
0x46: {  	_ =	shalt  }
0x47: {  	_ =	shalt  }
0x48: {  	_ =	shalt  }
0x49: {  	_ =	shalt  }
0x4a: {  	_ =	shalt  }
0x4b: {  	_ =	shalt  }
0x4c: {  	_ =	shalt  }
0x4d: {  	_ =	shalt  }
0x4e: {  	_ =	shalt  }
0x4f: {  	_ =	shalt  }
0x50: {  	_ =	shalt  }
0x51: {  	_ =	shalt  }
0x52: {  	_ =	shalt  }
0x53: {  	_ =	shalt  }
0x54: {  	_ =	shalt  }
0x55: {  	_ =	shalt  }
0x56: {  	_ =	shalt  }
0x57: {  	_ =	shalt  }
0x58: {  	_ =	shalt  }
0x59: {  	_ =	shalt  }
0x5a: {  	_ =	shalt  }
0x5b: {  	_ =	shalt  }
0x5c: {  	_ =	shalt  }
0x5d: {  	_ =	shalt  }
0x5e: {  	_ =	shalt  }
0x5f: {  	_ =	shalt  }
0x60: {  	_ =	shalt  }
0x61: {  	_ =	shalt  }
0x62: {  	_ =	shalt  }
0x63: {  	_ =	shalt  }
0x64: {  	_ =	shalt  }
0x65: {  	_ =	shalt  }
0x66: {  	_ =	shalt  }
0x67: {  	_ =	shalt  }
0x68: {  	_ =	shalt  }
0x69: {  	_ =	shalt  }
0x6a: {  	_ =	shalt  }
0x6b: {  	_ =	shalt  }
0x6c: {  	_ =	shalt  }
0x6d: {  	_ =	shalt  }
0x6e: {  	_ =	shalt  }
0x6f: {  	_ =	shalt  }
0x70: {  	_ =	shalt  }
0x71: {  	_ =	shalt  }
0x72: {  	_ =	shalt  }
0x73: {  	_ =	shalt  }
0x74: {  	_ =	shalt  }
0x75: {  	_ =	shalt  }
0x76: {  	_ =	shalt  }
0x77: {  	_ =	shalt  }
0x78: {  	_ =	shalt  }
0x79: {  	_ =	shalt  }
0x7a: {  	_ =	shalt  }
0x7b: {  	_ =	shalt  }
0x7c: {  	_ =	shalt  }
0x7d: {  	_ =	shalt  }
0x7e: {  	_ =	shalt  }
0x7f: {  	_ =	shalt  }
0x80: {  	_ =	shalt  }
0x81: {  	_ =	shalt  }
0x82: {  	_ =	shalt  }
0x83: {  	_ =	shalt  }
0x84: {  	_ =	shalt  }
0x85: {  	_ =	shalt  }
0x86: {  	_ =	shalt  }
0x87: {  	_ =	shalt  }
.Lfunc_end0:
.L_simem_size_0:
called_computation.4_lowered:
.L_overlay_start_0:
0x88: {  	s2 =	sld [smem:$0x3FD9]  }
0x89: {  	s3 =	sld [smem:$0x3FFE];
	_ =	sdelay $0x1  }
0x8a: {  	s1 =	srdreg.scid  }
0x8b: {  	s0 =	sand.u32 $0x1, s1  }
0x8c: {  	s17 =	sshll.u32 s0, $0xA;
	s2 =	sadd.s32 s3, s2  }
0x8d: {  	s2 =	sadd.s32 s2, s17  }
0x8e: {  	[smem:$0x3FC4] =	sst s2  }
0x8f: {  	_ = 	snop  }
0x90: {  	(tm) =	ssettm $0x1  }
0x91: {  	s18 =	sld [smem:$0x3FFB];
	_ =	sdelay $0x3  }
0x92: {  	_ =	strace s18  }
0x93: {  	s2 =	sld [smem:$0x3FFC];
	_ =	sdelay $0x3  }
0x94: {  	_ =	strace s2  }
0x95: {  	s2 =	sld [smem:$0x3FFD];
	_ =	sdelay $0x3  }
0x96: {  	_ =	strace s2  }
0x97: {  	_ =	strace $0x8FFFFFFF  }
0x98: {  	s19 =	sld [smem:$0x3FDB];
	_ =	sdelay $0x1  }
0x99: {  	s20 =	simm.s32 $_scs_section_size  }
0x9a: {  	s4 =	simm.s32 $_size__tile_overlayer_lowered;
	s5 =	simm.s32 $_tile_overlayer_lowered  }
0x9b: {  	s6 =	simm.s32 $0x1BFF;
	s21 =	sshll.u32 s5, $0x1;
	s3 =	sadd.s32 s20, s19  }
0x9c: {  	s22 =	simm.s32 $0x0;
	s4 =	sshll.u32 s4, $0x1;
	s5 =	sadd.s32 s21, s3  }
0x9d: {  	[timem:s22], [sflag:s6] =	dma.local [hbm:s5], s4  }
0x9e: {  	_ =	swait.ge [sflag:s6], s4  }
0x9f: {  	s4 =	ssub.s32 $0x0, s4;
	[sflag:s6] =	ssyncset.done $0x0  }
0xa0: {  	[sflag:s6] =	ssyncadd.s32 s4;
	_ =	sdelay $0x1  }
0xa1: {  	s23 =	simm.s32 $0x1B8B  }
0xa2: {  	_ =	swait.ge [sflag:s23], $0x1  }
0xa3: {  	[sflag:s23] =	ssyncset.done $0x0  }
0xa4: {  	[sflag:s23] =	ssyncadd.s32 $0xFFFFFFFF  }
0xa5: {  	s4 =	sld [smem:$0x0]  }
0xa6: {  	s5 =	sand.u32 $0xFFFFFFFE, s1  }
0xa7: {  	p0 =	sne.s32 s1, s5  }
0xa8: {  	s5 =	sshll.u32 @p0 s5, $0xE  }
0xa9: {  	s5 =	sadd.s32 @p0 $0x11B8D, s5;
	s6 =	sshll.u32 @p0 s4, $0x11  }
0xaa: {  	s5 =	sor.u32 @p0 s6, s5  }
0xab: {  	[sflag:s5] =	ssyncadd.remote.s32 @p0 $0x1;
	_ =	sdelay $0x1  }
0xac: {  	s5 =	simm.s32 @p0 $0x1B8D  }
0xad: {  	_ =	swait.eq @p0 [sflag:s5], $0x1  }
0xae: {  	[sflag:s5] =	ssyncadd.s32 @p0 $0xFFFFFFFF  }
0xaf: {  	s6 =	sshll.u32 @!p0 s1, $0xE  }
0xb0: {  	s6 =	sor.u32 @!p0 $0x4000, s6;
	s5 =	simm.s32 @!p0 $0x1B8D  }
0xb1: {  	s4 =	sshll.u32 @!p0 s4, $0x11;
	s6 =	sadd.s32 @!p0 $0x11B8D, s6;
	_ =	swait.eq @!p0 [sflag:s5], $0x1  }
0xb2: {  	s4 =	sor.u32 @!p0 s4, s6;
	[sflag:s5] =	ssyncadd.s32 @!p0 $0xFFFFFFFF  }
0xb3: {  	s25 =	simm.s32 $0x1B8E;
	s24 =	sld [smem:$0x3FFE];
	[sflag:s4] =	ssyncadd.remote.s32 @!p0 $0x1  }
0xb4: {  	s26 =	simm.s32 $execute0_lowered;
	[smem:$0x3FD2] =	sst s25  }
0xb5: {  	s5 =	sshll.u32 s26, $0x1;
	_ =	strace $0x80000052;
	[dreg:$0x1] =	wrdreg $0xFFFFFFFF  }
0xb6: {  	s28 =	simm.s32 $_size_execute0_lowered;
	s3 =	sadd.s32 s3, s5;
	[dreg:$0x0] =	wrdreg $0x0  }
0xb7: {  	s5 =	sshll.u32 s28, $0x1;
	[dreg:$0x2] =	wrdreg s3  }
0xb8: {  	[dreg:$0x3] =	wrdreg s5  }
0xb9: {  	[dreg:$0x4] =	wrdreg $0xC0  }
0xba: {  	_ =	task [dreg:s22], $0x5FFFF  }
0xbb: {  	[dreg:$0x1] =	wrdreg $0xFFFFFFFF  }
0xbc: {  	[dreg:$0x0] =	wrdreg $0x60  }
0xbd: {  	[dreg:$0x2] =	wrdreg s24  }
0xbe: {  	[dreg:$0x3] =	wrdreg $0xC  }
0xbf: {  	_ =	task.clear_ibuf [dreg:s22], $0x4FFFF;
	_ =	strace $0x90000052  }
0xc0: {  	s29 =	simm.s32 $0xC;
	_ =	strace $0x80000054  }
0xc1: {  	_ =	swait.ge [sflag:s29], $0x1  }
0xc2: {  	[sflag:s29] =	ssyncadd.s32 $0xFFFFFFFF  }
0xc3: {  	_ =	strace $0x90000054  }
0xc4: {  	_ =	sfence  }
0xc5: {  	s30 =	sld [smem:$0x0];
	_ =	sdelay $0x2  }
0xc6: {  	s31 =	sshll.u32 s1, $0xD;
	s1 =	sshrl.u32 s1, $0x2  }
0xc7: {  	s4 =	sand.u32 $0x4000, s31;
	s1 =	sadd.s32 s1, s30  }
0xc8: {  	s0 =	sor.u32 s4, s0;
	s1 =	sshll.u32 s1, $0x11  }
0xc9: {  	s0 =	sor.u32 s1, s0  }
0xca: {  	s0 =	sadd.s32 $0x8F2B, s0  }
0xcb: {  	[sflag:s0] =	ssyncadd.remote.s32 $0x1  }
0xcc: {  	_ =	sfence.sel $0xFFFF  }
0xcd: {  	[dreg:$0x0] =	wrdreg $0xFFFFFFFF;
	(pc) =	sbr.abs _section_cstart, $3  }
0xce: {  	[dreg:$0x1] =	wrdreg $0xFFFFFFFF  }
0xcf: {  	_ =	task.clear_ibuf [dreg:s22], $0x2FFFF;
	_ =	strace $0x9FFFFFFF  }
0xd0: {  	(tm) =	ssettm $0x7FFFFFFF  }
0xd1: {  	_ =	shalt  }
tec
execute0_lowered:
.L_overlay_start_1:
0x0: {  	(tag) =	ssettag $0x1  }
0x1: {  	s4 =	rddreg [dreg:$0x0]  }
0x2: {  	s0 =	rddreg [dreg:$0x1];
	s1 =	stileid.u32  }
0x3: {  	s2 =	simm.s32 $0x0;
	s3 =	srdreg.scid;
	s11 =	simm.s32 $0x1  }
0x4: {  	s12 =	simm.s32 $0x40;
	s13 =	simm.s32 $0x0;
	s5 =	smul.u32 $0x640, s1  }
0x5: {  	[smem:$0x7FF] =	sst s2;
	s6 =	smul.u32 $0x32000, s1;
	s7 =	sand.u32 $0x1, s3  }
0x6: {  	s3 =	sadd.s32 $0x1AA00, s4;
	s8 =	ssub.s32 $0x2, s7;
	s9 =	smul.u32 $0x19000, s7  }
0x7: {  	_ =	strace $0x80000053;
	s7 =	smul.u32 $0x320, s7;
	s10 =	sshrl.u32 s8, $0x1  }
0x8: {  	s5 =	sadd.s32 s5, s4;
	s6 =	sadd.s32 s6, s4;
	s31 =	ssub.s32 s8, s10  }
0x9: {  	s6 =	sadd.s32 s9, s6;
	s7 =	sadd.s32 s7, s5;
	s8 =	simm.s32 $0x80  }
0xa: {  	s9 =	simm.s32 $0x100;
	s10 =	simm.s32 $0x2100;
	s4 =	smax.u32 s31, $0x1  }
0xb: {  	s5 =	sadd.s32 $0x18ED600, s6;
	s6 =	sadd.s32 $0xF87200, s7;
	s7 =	simm.s32 $0x2  }
.LBB2_1:
0xc: {  	s14 =	sadd.s32 $0x0, s6  }
0xd: {  	[tilespmem:s2], [sflag:$0x2] =	stream.linear.gather [hbm4b:s14+s2], $0x100, $0x38;
	[tilespmem:$0x4100] =	vst v63  }
0xe: {  	_ =	swait.ge [sflag:s7], $0x100  }
0xf: {  	[sflag:s7] =	ssyncset.done $0x0  }
0x10: {  	[sflag:s7] =	ssyncadd.s32 $0xFFFFFF00  }
0x11: {  	[tilespmem:s9], [sflag:$0x1] =	stream.indirect.gather [hbm4b:s3+s8], $0x40, s2, s8, $0xb8;
	[tilespmem:$0x4100] =	vst v63  }
0x12: {  	_ = 	snop  }
0x13: {  	[tilespmem:s10], [sflag:$0x1] =	stream.indirect.gather [hbm4b:s3+s8], $0x40, s8, s8, $0xb8;
	[tilespmem:$0x4100] =	vst v63  }
0x14: {  	_ =	swait.ge [sflag:s11], $0x2000  }
0x15: {  	[sflag:s11] =	ssyncset.done $0x0  }
0x16: {  	[sflag:s11] =	ssyncadd.s32 $0xFFFFE000  }
0x17: {  	_ =	swait.ge [sflag:s11], $0x2000  }
0x18: {  	[sflag:s11] =	ssyncset.done $0x0  }
0x19: {  	[sflag:s11] =	ssyncadd.s32 $0xFFFFE000  }
0x1a: {  	[hbm4b:s5+s12] =	stream.strided.scatter [tilespmem:s9], [sflag:$0x2], $0x4000, s8, s12, $0x38;
	[tilespmem:$0x4100] =	vst v63  }
0x1b: {  	s15 =	simm.s32 $0x20;
	_ =	swait.ge [sflag:s7], $0x4000  }
0x1c: {  	s16 =	simm.s32 $0x40;
	s14 =	sadd.s32 $0x1000, s5;
	[sflag:s7] =	ssyncset.done $0x0  }
.LBB2_2:
0x1d: {  	s17 =	sadd.s32 s15, s6  }
0x1e: {  	[sflag:s7] =	ssyncadd.s32 $0xFFFFC000;
	s15 =	smov.u32 s16;
	s18 =	sadd.s32 $0x20, s16  }
0x1f: {  	[tilespmem:s2], [sflag:$0x2] =	stream.linear.gather [hbm4b:s17+s2], $0x100, $0x38;
	[tilespmem:$0x4100] =	vst v63  }
0x20: {  	p0 =	sne.s32 s16, $0x300;
	_ =	swait.ge [sflag:s7], $0x100  }
0x21: {  	[sflag:s7] =	ssyncset.done $0x0  }
0x22: {  	[sflag:s7] =	ssyncadd.s32 $0xFFFFFF00  }
0x23: {  	[tilespmem:s9], [sflag:$0x1] =	stream.indirect.gather [hbm4b:s3+s8], $0x40, s2, s8, $0xb8;
	[tilespmem:$0x4100] =	vst v63  }
0x24: {  	_ = 	snop  }
0x25: {  	[tilespmem:s10], [sflag:$0x1] =	stream.indirect.gather [hbm4b:s3+s8], $0x40, s8, s8, $0xb8;
	[tilespmem:$0x4100] =	vst v63  }
0x26: {  	_ =	swait.ge [sflag:s11], $0x2000  }
0x27: {  	[sflag:s11] =	ssyncset.done $0x0  }
0x28: {  	[sflag:s11] =	ssyncadd.s32 $0xFFFFE000  }
0x29: {  	_ =	swait.ge [sflag:s11], $0x2000  }
.Ltmp0:
0x2a: {  	[sflag:s11] =	ssyncset.done $0x0;
	(pc) =	sbr.rel @p0 .LBB2_2-.Ltmp0, $4  }
0x2b: {  	[sflag:s11] =	ssyncadd.s32 $0xFFFFE000  }
0x2c: {  	[hbm4b:s14+s12] =	stream.strided.scatter [tilespmem:s9], [sflag:$0x2], $0x4000, s8, s12, $0x38;
	[tilespmem:$0x4100] =	vst v63  }
0x2d: {  	_ =	swait.ge [sflag:s7], $0x4000  }
0x2e: {  	s16 =	smov.u32 s18;
	s14 =	sadd.s32 $0x1000, s14;
	[sflag:s7] =	ssyncset.done $0x0  }
0x2f: {  	s15 =	sadd.s32 s15, s6;
	[sflag:s7] =	ssyncadd.s32 $0xFFFFC000  }
0x30: {  	[tilespmem:s2], [sflag:$0x2] =	stream.linear.gather [hbm4b:s15+s2], $0x100, $0x38;
	[tilespmem:$0x4100] =	vst v63  }
0x31: {  	_ =	swait.ge [sflag:s7], $0x100  }
0x32: {  	[sflag:s7] =	ssyncset.done $0x0  }
0x33: {  	[sflag:s7] =	ssyncadd.s32 $0xFFFFFF00  }
0x34: {  	[tilespmem:s9], [sflag:$0x1] =	stream.indirect.gather [hbm4b:s3+s8], $0x40, s2, s8, $0xb8;
	[tilespmem:$0x4100] =	vst v63  }
0x35: {  	_ = 	snop  }
0x36: {  	[tilespmem:s10], [sflag:$0x1] =	stream.indirect.gather [hbm4b:s3+s8], $0x40, s8, s8, $0xb8;
	[tilespmem:$0x4100] =	vst v63  }
0x37: {  	_ =	swait.ge [sflag:s11], $0x2000  }
0x38: {  	[sflag:s11] =	ssyncset.done $0x0  }
0x39: {  	[sflag:s11] =	ssyncadd.s32 $0xFFFFE000  }
0x3a: {  	s13 =	sadd.s32 $0x1, s13;
	_ =	swait.ge [sflag:s11], $0x2000  }
0x3b: {  	p0 =	sne.s32 s13, s4;
	[sflag:s11] =	ssyncset.done $0x0  }
.Ltmp1:
0x3c: {  	[sflag:s11] =	ssyncadd.s32 $0xFFFFE000;
	(pc) =	sbr.rel @p0 .LBB2_1-.Ltmp1, $4  }
0x3d: {  	[hbm4b:s14+s12] =	stream.strided.scatter [tilespmem:s9], [sflag:$0x2], $0x4000, s8, s12, $0x38;
	[tilespmem:$0x4100] =	vst v63  }
0x3e: {  	_ =	swait.ge [sflag:s7], $0x4000  }
0x3f: {  	[sflag:s7] =	ssyncset.done $0x0  }
0x40: {  	[sflag:s7] =	ssyncadd.s32 $0xFFFFC000  }
0x41: {  	_ =	sfence.sel $0x180000  }
0x42: {  	[bflag:$0x0] =	sbarrier.arrive $0xFFFF  }
0x43: {  	p0 =	sne.s32 s1, $0x0;
	_ =	strace $0x90000053  }
0x44: {  	s0 =	sadd.s32 @!p0 $0x100000, s0;
	[bflag:$0x2] =	sbarrier.arrive $0xFFFF  }
0x45: {  	[sflag:s0] =	ssyncadd.tile.s32 @!p0 $0x1;
	_ =	shalt  }
.Lfunc_end2:
_tile_overlayer_lowered:
.L_overlay_start_2:
0x46: {  	(tag) =	ssettag $0x2  }
0x47: {  	s0 =	rddreg [dreg:$0x0];
	s2 =	stileid.u32  }
0x48: {  	s1 =	rddreg [dreg:$0x1];
	p0 =	sne.s32 s2, $0x0  }
0x49: {  	s3 =	rddreg [dreg:$0x2];
	[bflag:$0x3] =	sbarrier.arrive $0xFFFF;
	s2 =	simm.s32 @!p0 $0x1C02  }
0x4a: {  	[timem:s3], [sflag:s2] =	dma.local @!p0 [hbm:s0], s1  }
0x4b: {  	s0 =	simm.s32 @!p0 $0x2  }
0x4c: {  	_ =	swait.ge @!p0 [sflag:s0], s1  }
0x4d: {  	s1 =	ssub.s32 @!p0 $0x0, s1;
	[sflag:s0] =	ssyncset.done @!p0 $0x0  }
0x4e: {  	[sflag:s0] =	ssyncadd.s32 @!p0 s1  }
0x4f: {  	[bflag:$0x3] =	sbarrier.arrive $0xFFFF  }
0x50: {  	_ =	shalt  }

</sc_bundles>
